<compile_context>
chip_gen: v7x
topology: tpu7x:2x2x1
jax: 0.10.2.dev20260603
libtpu: 0.0.44.dev20260713+nightly
codegen_flags: <defaults>
</compile_context>

<pallas_src>
import functools
import jax
import jax.numpy as jnp
from jax import lax
from jax.experimental import pallas as pl
from jax.experimental.pallas import tpu as pltpu
from jax.experimental.pallas import tpu_sc as plsc

NUM_TYPE = 17
EMB_DIM = 10
ROWS = 16384
COLS = 200
N_IDX = ROWS * COLS
N_OUT = N_IDX * EMB_DIM
NC = 2
NS = 16
NW = NC * NS
PER_W = N_IDX // NW
CHUNK = 2048
N_CHUNK = PER_W // CHUNK
L = 16

_mesh = plsc.VectorSubcoreMesh(core_axis_name="c", subcore_axis_name="s")


@functools.partial(
    pl.kernel,
    mesh=_mesh,
    compiler_params=pltpu.CompilerParams(needs_layout_passes=False),
    out_type=jax.ShapeDtypeStruct((N_OUT,), jnp.float32),
    scratch_types=[
        pltpu.VMEM((NUM_TYPE * EMB_DIM,), jnp.float32),
        pltpu.VMEM((CHUNK,), jnp.int32),
        pltpu.VMEM((CHUNK * EMB_DIM,), jnp.float32),
    ],
)
def _sc_lookup(tab_hbm, idx_hbm, out_hbm, tab_v, idx_v, out_v):
    wid = lax.axis_index("s") * NC + lax.axis_index("c")
    base = wid * PER_W
    pltpu.sync_copy(tab_hbm, tab_v)

    def chunk_body(c, carry):
        start = base + c * CHUNK
        pltpu.sync_copy(idx_hbm.at[pl.ds(start, CHUNK)], idx_v)

        def group_body(g, gcarry):
            g16 = g * L
            lane = lax.broadcasted_iota(jnp.int32, (L,), 0)
            for v in range(EMB_DIM):
                w = lane + (L * v)
                r = w // EMB_DIM
                m = w - r * EMB_DIM
                e = plsc.load_gather(idx_v, [g16 + r])
                a = e * EMB_DIM + m
                wv = plsc.load_gather(tab_v, [a])
                out_v[pl.ds(g * (L * EMB_DIM) + v * L, L)] = wv
            return gcarry

        lax.fori_loop(0, CHUNK // L, group_body, 0)
        pltpu.sync_copy(out_v, out_hbm.at[pl.ds(start * EMB_DIM, CHUNK * EMB_DIM)])
        return carry

    lax.fori_loop(0, N_CHUNK, chunk_body, 0)


def kernel(inputs, table):
    idx = inputs.reshape(-1).astype(jnp.int32)
    tab = table.reshape(-1)
    out = _sc_lookup(tab, idx)
    return out.reshape(ROWS, COLS, EMB_DIM)

# --- scband reference (transcript-rebuilt; emitter-appended) ---
"""Pipeline reference for scband-posembedding-65309272703389 (READ-ONLY COPY).

The authoritative reference and input builder live on the scoring server;
editing this copy changes nothing except your own understanding.
"""

import jax, jax.numpy as jnp
import numpy as np

NUM_TYPE = 17  # universal POS tagset size
EMB_DIM = 10

def setup_inputs(seed: int = 0) -> dict:
    key = jax.random.key(seed)
    k1, k2 = jax.random.split(key)
    inputs = jax.random.randint(k1, (16384, 200), 0, NUM_TYPE, dtype=jnp.int64)
    # Keras Embedding default init: uniform in [-0.05, 0.05]
    table = jax.random.uniform(k2, (NUM_TYPE, EMB_DIM), minval=-0.05, maxval=0.05, dtype=jnp.float32)
    return {"inputs": inputs, "table": table}

def reference(inputs, table):
    # Embedding lookup: gather rows of the POS embedding table
    return jnp.take(table, inputs, axis=0)

if __name__ == "__main__":
    import jax
    _d = setup_inputs()
    print(jax.jit(kernel)(*tuple(_d.values())))

</pallas_src>

<mosaic_0001>
#map = affine_map<(d0, d1) -> (0)>
module attributes {stable_mosaic.version = 14 : i64} {
  func.func @_sc_lookup(%arg0: i32, %arg1: i32, %arg2: memref<170xf32, #tpu.memory_space<hbm>>, %arg3: memref<3276800xi32, #tpu.memory_space<hbm>>, %arg4: memref<32768000xf32, #tpu.memory_space<hbm>>, %arg5: memref<170xf32, #tpu.memory_space<vmem>>, %arg6: memref<2048xi32, #tpu.memory_space<vmem>>, %arg7: memref<20480xf32, #tpu.memory_space<vmem>>) attributes {dimension_semantics = [#tpu.dimension_semantics<core_parallel>, #tpu.dimension_semantics<subcore_parallel>], iteration_bounds = array<i64: 2, 16>, scalar_prefetch = 0 : i64, scratch_operands = 3 : i64, tpu.core_type = #tpu.core_type<sc_vector_subcore>, window_params = [{transform_indices = #map}, {transform_indices = #map}, {transform_indices = #map}]} {
    %mul3A = arith.constant 2 : i32
    %mul3A_0 = arith.muli %arg1, %mul3A : i32
    %add3A = arith.addi %mul3A_0, %arg0 : i32
    %mul3A_1 = arith.constant 102400 : i32
    %mul3A_2 = arith.muli %add3A, %mul3A_1 : i32
    "tpu.region"() ({
      %run_scoped3A = tpu.sem_alloc : memref<!tpu.dma_semaphore, #tpu.memory_space<semaphore_mem>>
      tpu.enqueue_dma source(%arg2 : memref<170xf32, #tpu.memory_space<hbm>>) target(%arg5 : memref<170xf32, #tpu.memory_space<vmem>>) target_semaphore(%run_scoped3A : memref<!tpu.dma_semaphore, #tpu.memory_space<semaphore_mem>>)
      tpu.wait_dma2 semaphore(%run_scoped3A : memref<!tpu.dma_semaphore, #tpu.memory_space<semaphore_mem>>) src(%arg2 : memref<170xf32, #tpu.memory_space<hbm>>) dst(%arg5 : memref<170xf32, #tpu.memory_space<vmem>>)
      tpu.yield
    }) : () -> ()
    %scan3A = arith.constant 0 : i32
    %scan3A_3 = arith.constant 0 : i32
    %scan3A_4 = arith.constant 50 : i32
    %scan3A_5 = arith.addi %scan3A_3, %scan3A_4 : i32
    %scan3A_6 = arith.constant 1 : i32
    scf.for %scan3A_8 = %scan3A_3 to %scan3A_5 step %scan3A_6  : i32 {
      %mul3A_9 = arith.constant 2048 : i32
      %mul3A_10 = arith.muli %scan3A_8, %mul3A_9 : i32
      %add3A_11 = arith.addi %mul3A_2, %mul3A_10 : i32
      "tpu.region"() ({
        %run_scoped3A = tpu.sem_alloc : memref<!tpu.dma_semaphore, #tpu.memory_space<semaphore_mem>>
        %dma_start3A = tpu.memref_slice %arg3[%add3A_11] : memref<3276800xi32, #tpu.memory_space<hbm>> -> memref<2048xi32, #tpu.memory_space<hbm>>
        %dma_start3A_20 = tpu.memref_slice %arg3[%add3A_11] : memref<3276800xi32, #tpu.memory_space<hbm>> -> memref<2048xi32, #tpu.memory_space<hbm>>
        tpu.enqueue_dma source(%dma_start3A_20 : memref<2048xi32, #tpu.memory_space<hbm>>) target(%arg6 : memref<2048xi32, #tpu.memory_space<vmem>>) target_semaphore(%run_scoped3A : memref<!tpu.dma_semaphore, #tpu.memory_space<semaphore_mem>>)
        %dma_wait3A = tpu.memref_slice %arg3[%add3A_11] : memref<3276800xi32, #tpu.memory_space<hbm>> -> memref<2048xi32, #tpu.memory_space<hbm>>
        %dma_wait3A_21 = tpu.memref_slice %arg3[%add3A_11] : memref<3276800xi32, #tpu.memory_space<hbm>> -> memref<2048xi32, #tpu.memory_space<hbm>>
        tpu.wait_dma2 semaphore(%run_scoped3A : memref<!tpu.dma_semaphore, #tpu.memory_space<semaphore_mem>>) src(%dma_wait3A_21 : memref<2048xi32, #tpu.memory_space<hbm>>) dst(%arg6 : memref<2048xi32, #tpu.memory_space<vmem>>)
        tpu.yield
      }) : () -> ()
      %scan3A_12 = arith.constant 0 : i32
      %scan3A_13 = arith.constant 0 : i32
      %scan3A_14 = arith.constant 128 : i32
      %scan3A_15 = arith.addi %scan3A_13, %scan3A_14 : i32
      %scan3A_16 = arith.constant 1 : i32
      scf.for %scan3A_20 = %scan3A_13 to %scan3A_15 step %scan3A_16  : i32 {
        %mul3A_21 = arith.constant 16 : i32
        %mul3A_22 = arith.muli %scan3A_20, %mul3A_21 : i32
        %iota3A = tpu.iota {dimensions = array<i32: 0>} : vector<16xi32>
        %add3A_23 = arith.constant 0 : i32
        %add3A_24 = vector.broadcast %add3A_23 : i32 to vector<16xi32>
        %add3A_25 = arith.addi %iota3A, %add3A_24 : vector<16xi32>
        %jit3A = arith.constant 10 : i32
        %div3A = vector.broadcast %jit3A : i32 to vector<16xi32>
        %div3A_26 = arith.divsi %add3A_25, %div3A : vector<16xi32>
        %sign3A = arith.constant 0 : i32
        %sign3A_27 = vector.broadcast %sign3A : i32 to vector<16xi32>
        %sign3A_28 = arith.cmpi sgt, %add3A_25, %sign3A_27 : vector<16xi32>
        %sign3A_29 = arith.extui %sign3A_28 : vector<16xi1> to vector<16xi32>
        %sign3A_30 = arith.constant 0 : i32
        %sign3A_31 = vector.broadcast %sign3A_30 : i32 to vector<16xi32>
        %sign3A_32 = arith.cmpi slt, %add3A_25, %sign3A_31 : vector<16xi32>
        %sign3A_33 = arith.extui %sign3A_32 : vector<16xi1> to vector<16xi32>
        %sign3A_34 = arith.subi %sign3A_29, %sign3A_33 : vector<16xi32>
        %sign3A_35 = arith.constant 0 : i32
        %sign3A_36 = arith.cmpi sgt, %jit3A, %sign3A_35 : i32
        %sign3A_37 = arith.extui %sign3A_36 : i1 to i32
        %sign3A_38 = arith.constant 0 : i32
        %sign3A_39 = arith.cmpi slt, %jit3A, %sign3A_38 : i32
        %sign3A_40 = arith.extui %sign3A_39 : i1 to i32
        %sign3A_41 = arith.subi %sign3A_37, %sign3A_40 : i32
        %ne3A = vector.broadcast %sign3A_41 : i32 to vector<16xi32>
        %ne3A_42 = arith.cmpi ne, %sign3A_34, %ne3A : vector<16xi32>
        %rem3A = vector.broadcast %jit3A : i32 to vector<16xi32>
        %rem3A_43 = arith.remsi %add3A_25, %rem3A : vector<16xi32>
        %ne3A_44 = arith.constant 0 : i32
        %ne3A_45 = vector.broadcast %ne3A_44 : i32 to vector<16xi32>
        %ne3A_46 = arith.cmpi ne, %rem3A_43, %ne3A_45 : vector<16xi32>
        %and3A = arith.andi %ne3A_42, %ne3A_46 : vector<16xi1>
        %sub3A = arith.constant 1 : i32
        %sub3A_47 = vector.broadcast %sub3A : i32 to vector<16xi32>
        %sub3A_48 = arith.subi %div3A_26, %sub3A_47 : vector<16xi32>
        %select_n3A = arith.select %and3A, %sub3A_48, %div3A_26 : vector<16xi1>, vector<16xi32>
        %mul3A_49 = arith.constant 10 : i32
        %mul3A_50 = vector.broadcast %mul3A_49 : i32 to vector<16xi32>
        %mul3A_51 = arith.muli %select_n3A, %mul3A_50 : vector<16xi32>
        %sub3A_52 = arith.subi %add3A_25, %mul3A_51 : vector<16xi32>
        %add3A_53 = vector.broadcast %mul3A_22 : i32 to vector<16xi32>
        %add3A_54 = arith.addi %add3A_53, %select_n3A : vector<16xi32>
        %gather3A = tpu.vector_load_idx %arg6[%add3A_54] : memref<2048xi32, #tpu.memory_space<vmem>>[vector<16xi32>], vector<16xi32>,
        %mul3A_55 = arith.constant 10 : i32
        %mul3A_56 = vector.broadcast %mul3A_55 : i32 to vector<16xi32>
        %mul3A_57 = arith.muli %gather3A, %mul3A_56 : vector<16xi32>
        %add3A_58 = arith.addi %mul3A_57, %sub3A_52 : vector<16xi32>
        %gather3A_59 = tpu.vector_load_idx %arg5[%add3A_58] : memref<170xf32, #tpu.memory_space<vmem>>[vector<16xi32>], vector<16xf32>,
        %mul3A_60 = arith.constant 160 : i32
        %mul3A_61 = arith.muli %scan3A_20, %mul3A_60 : i32
        %add3A_62 = arith.constant 0 : i32
        %add3A_63 = arith.addi %mul3A_61, %add3A_62 : i32
        %swap3A = arith.index_cast %add3A_63 : i32 to index
        %swap3A_64 = tpu.vector_load %arg7[%swap3A] {strides = array<i32>} : memref<20480xf32, #tpu.memory_space<vmem>>, vector<16xf32>,
        tpu.vector_store %arg7[%swap3A], %gather3A_59 {strides = array<i32>} : memref<20480xf32, #tpu.memory_space<vmem>>, vector<16xf32>,
        %add3A_65 = arith.constant 16 : i32
        %add3A_66 = vector.broadcast %add3A_65 : i32 to vector<16xi32>
        %add3A_67 = arith.addi %iota3A, %add3A_66 : vector<16xi32>
        %jit3A_68 = arith.constant 10 : i32
        %div3A_69 = vector.broadcast %jit3A_68 : i32 to vector<16xi32>
        %div3A_70 = arith.divsi %add3A_67, %div3A_69 : vector<16xi32>
        %sign3A_71 = arith.constant 0 : i32
        %sign3A_72 = vector.broadcast %sign3A_71 : i32 to vector<16xi32>
        %sign3A_73 = arith.cmpi sgt, %add3A_67, %sign3A_72 : vector<16xi32>
        %sign3A_74 = arith.extui %sign3A_73 : vector<16xi1> to vector<16xi32>
        %sign3A_75 = arith.constant 0 : i32
        %sign3A_76 = vector.broadcast %sign3A_75 : i32 to vector<16xi32>
        %sign3A_77 = arith.cmpi slt, %add3A_67, %sign3A_76 : vector<16xi32>
        %sign3A_78 = arith.extui %sign3A_77 : vector<16xi1> to vector<16xi32>
        %sign3A_79 = arith.subi %sign3A_74, %sign3A_78 : vector<16xi32>
        %sign3A_80 = arith.constant 0 : i32
        %sign3A_81 = arith.cmpi sgt, %jit3A_68, %sign3A_80 : i32
        %sign3A_82 = arith.extui %sign3A_81 : i1 to i32
        %sign3A_83 = arith.constant 0 : i32
        %sign3A_84 = arith.cmpi slt, %jit3A_68, %sign3A_83 : i32
        %sign3A_85 = arith.extui %sign3A_84 : i1 to i32
        %sign3A_86 = arith.subi %sign3A_82, %sign3A_85 : i32
        %ne3A_87 = vector.broadcast %sign3A_86 : i32 to vector<16xi32>
        %ne3A_88 = arith.cmpi ne, %sign3A_79, %ne3A_87 : vector<16xi32>
        %rem3A_89 = vector.broadcast %jit3A_68 : i32 to vector<16xi32>
        %rem3A_90 = arith.remsi %add3A_67, %rem3A_89 : vector<16xi32>
        %ne3A_91 = arith.constant 0 : i32
        %ne3A_92 = vector.broadcast %ne3A_91 : i32 to vector<16xi32>
        %ne3A_93 = arith.cmpi ne, %rem3A_90, %ne3A_92 : vector<16xi32>
        %and3A_94 = arith.andi %ne3A_88, %ne3A_93 : vector<16xi1>
        %sub3A_95 = arith.constant 1 : i32
        %sub3A_96 = vector.broadcast %sub3A_95 : i32 to vector<16xi32>
        %sub3A_97 = arith.subi %div3A_70, %sub3A_96 : vector<16xi32>
        %select_n3A_98 = arith.select %and3A_94, %sub3A_97, %div3A_70 : vector<16xi1>, vector<16xi32>
        %mul3A_99 = arith.constant 10 : i32
        %mul3A_100 = vector.broadcast %mul3A_99 : i32 to vector<16xi32>
        %mul3A_101 = arith.muli %select_n3A_98, %mul3A_100 : vector<16xi32>
        %sub3A_102 = arith.subi %add3A_67, %mul3A_101 : vector<16xi32>
        %add3A_103 = vector.broadcast %mul3A_22 : i32 to vector<16xi32>
        %add3A_104 = arith.addi %add3A_103, %select_n3A_98 : vector<16xi32>
        %gather3A_105 = tpu.vector_load_idx %arg6[%add3A_104] : memref<2048xi32, #tpu.memory_space<vmem>>[vector<16xi32>], vector<16xi32>,
        %mul3A_106 = arith.constant 10 : i32
        %mul3A_107 = vector.broadcast %mul3A_106 : i32 to vector<16xi32>
        %mul3A_108 = arith.muli %gather3A_105, %mul3A_107 : vector<16xi32>
        %add3A_109 = arith.addi %mul3A_108, %sub3A_102 : vector<16xi32>
        %gather3A_110 = tpu.vector_load_idx %arg5[%add3A_109] : memref<170xf32, #tpu.memory_space<vmem>>[vector<16xi32>], vector<16xf32>,
        %mul3A_111 = arith.constant 160 : i32
        %mul3A_112 = arith.muli %scan3A_20, %mul3A_111 : i32
        %add3A_113 = arith.constant 16 : i32
        %add3A_114 = arith.addi %mul3A_112, %add3A_113 : i32
        %swap3A_115 = arith.index_cast %add3A_114 : i32 to index
        %swap3A_116 = tpu.vector_load %arg7[%swap3A_115] {strides = array<i32>} : memref<20480xf32, #tpu.memory_space<vmem>>, vector<16xf32>,
        tpu.vector_store %arg7[%swap3A_115], %gather3A_110 {strides = array<i32>} : memref<20480xf32, #tpu.memory_space<vmem>>, vector<16xf32>,
        %add3A_117 = arith.constant 32 : i32
        %add3A_118 = vector.broadcast %add3A_117 : i32 to vector<16xi32>
        %add3A_119 = arith.addi %iota3A, %add3A_118 : vector<16xi32>
        %jit3A_120 = arith.constant 10 : i32
        %div3A_121 = vector.broadcast %jit3A_120 : i32 to vector<16xi32>
        %div3A_122 = arith.divsi %add3A_119, %div3A_121 : vector<16xi32>
        %sign3A_123 = arith.constant 0 : i32
        %sign3A_124 = vector.broadcast %sign3A_123 : i32 to vector<16xi32>
        %sign3A_125 = arith.cmpi sgt, %add3A_119, %sign3A_124 : vector<16xi32>
        %sign3A_126 = arith.extui %sign3A_125 : vector<16xi1> to vector<16xi32>
        %sign3A_127 = arith.constant 0 : i32
        %sign3A_128 = vector.broadcast %sign3A_127 : i32 to vector<16xi32>
        %sign3A_129 = arith.cmpi slt, %add3A_119, %sign3A_128 : vector<16xi32>
        %sign3A_130 = arith.extui %sign3A_129 : vector<16xi1> to vector<16xi32>
        %sign3A_131 = arith.subi %sign3A_126, %sign3A_130 : vector<16xi32>
        %sign3A_132 = arith.constant 0 : i32
        %sign3A_133 = arith.cmpi sgt, %jit3A_120, %sign3A_132 : i32
        %sign3A_134 = arith.extui %sign3A_133 : i1 to i32
        %sign3A_135 = arith.constant 0 : i32
        %sign3A_136 = arith.cmpi slt, %jit3A_120, %sign3A_135 : i32
        %sign3A_137 = arith.extui %sign3A_136 : i1 to i32
        %sign3A_138 = arith.subi %sign3A_134, %sign3A_137 : i32
        %ne3A_139 = vector.broadcast %sign3A_138 : i32 to vector<16xi32>
        %ne3A_140 = arith.cmpi ne, %sign3A_131, %ne3A_139 : vector<16xi32>
        %rem3A_141 = vector.broadcast %jit3A_120 : i32 to vector<16xi32>
        %rem3A_142 = arith.remsi %add3A_119, %rem3A_141 : vector<16xi32>
        %ne3A_143 = arith.constant 0 : i32
        %ne3A_144 = vector.broadcast %ne3A_143 : i32 to vector<16xi32>
        %ne3A_145 = arith.cmpi ne, %rem3A_142, %ne3A_144 : vector<16xi32>
        %and3A_146 = arith.andi %ne3A_140, %ne3A_145 : vector<16xi1>
        %sub3A_147 = arith.constant 1 : i32
        %sub3A_148 = vector.broadcast %sub3A_147 : i32 to vector<16xi32>
        %sub3A_149 = arith.subi %div3A_122, %sub3A_148 : vector<16xi32>
        %select_n3A_150 = arith.select %and3A_146, %sub3A_149, %div3A_122 : vector<16xi1>, vector<16xi32>
        %mul3A_151 = arith.constant 10 : i32
        %mul3A_152 = vector.broadcast %mul3A_151 : i32 to vector<16xi32>
        %mul3A_153 = arith.muli %select_n3A_150, %mul3A_152 : vector<16xi32>
        %sub3A_154 = arith.subi %add3A_119, %mul3A_153 : vector<16xi32>
        %add3A_155 = vector.broadcast %mul3A_22 : i32 to vector<16xi32>
        %add3A_156 = arith.addi %add3A_155, %select_n3A_150 : vector<16xi32>
        %gather3A_157 = tpu.vector_load_idx %arg6[%add3A_156] : memref<2048xi32, #tpu.memory_space<vmem>>[vector<16xi32>], vector<16xi32>,
        %mul3A_158 = arith.constant 10 : i32
        %mul3A_159 = vector.broadcast %mul3A_158 : i32 to vector<16xi32>
        %mul3A_160 = arith.muli %gather3A_157, %mul3A_159 : vector<16xi32>
        %add3A_161 = arith.addi %mul3A_160, %sub3A_154 : vector<16xi32>
        %gather3A_162 = tpu.vector_load_idx %arg5[%add3A_161] : memref<170xf32, #tpu.memory_space<vmem>>[vector<16xi32>], vector<16xf32>,
        %mul3A_163 = arith.constant 160 : i32
        %mul3A_164 = arith.muli %scan3A_20, %mul3A_163 : i32
        %add3A_165 = arith.constant 32 : i32
        %add3A_166 = arith.addi %mul3A_164, %add3A_165 : i32
        %swap3A_167 = arith.index_cast %add3A_166 : i32 to index
        %swap3A_168 = tpu.vector_load %arg7[%swap3A_167] {strides = array<i32>} : memref<20480xf32, #tpu.memory_space<vmem>>, vector<16xf32>,
        tpu.vector_store %arg7[%swap3A_167], %gather3A_162 {strides = array<i32>} : memref<20480xf32, #tpu.memory_space<vmem>>, vector<16xf32>,
        %add3A_169 = arith.constant 48 : i32
        %add3A_170 = vector.broadcast %add3A_169 : i32 to vector<16xi32>
        %add3A_171 = arith.addi %iota3A, %add3A_170 : vector<16xi32>
        %jit3A_172 = arith.constant 10 : i32
        %div3A_173 = vector.broadcast %jit3A_172 : i32 to vector<16xi32>
        %div3A_174 = arith.divsi %add3A_171, %div3A_173 : vector<16xi32>
        %sign3A_175 = arith.constant 0 : i32
        %sign3A_176 = vector.broadcast %sign3A_175 : i32 to vector<16xi32>
        %sign3A_177 = arith.cmpi sgt, %add3A_171, %sign3A_176 : vector<16xi32>
        %sign3A_178 = arith.extui %sign3A_177 : vector<16xi1> to vector<16xi32>
        %sign3A_179 = arith.constant 0 : i32
        %sign3A_180 = vector.broadcast %sign3A_179 : i32 to vector<16xi32>
        %sign3A_181 = arith.cmpi slt, %add3A_171, %sign3A_180 : vector<16xi32>
        %sign3A_182 = arith.extui %sign3A_181 : vector<16xi1> to vector<16xi32>
        %sign3A_183 = arith.subi %sign3A_178, %sign3A_182 : vector<16xi32>
        %sign3A_184 = arith.constant 0 : i32
        %sign3A_185 = arith.cmpi sgt, %jit3A_172, %sign3A_184 : i32
        %sign3A_186 = arith.extui %sign3A_185 : i1 to i32
        %sign3A_187 = arith.constant 0 : i32
        %sign3A_188 = arith.cmpi slt, %jit3A_172, %sign3A_187 : i32
        %sign3A_189 = arith.extui %sign3A_188 : i1 to i32
        %sign3A_190 = arith.subi %sign3A_186, %sign3A_189 : i32
        %ne3A_191 = vector.broadcast %sign3A_190 : i32 to vector<16xi32>
        %ne3A_192 = arith.cmpi ne, %sign3A_183, %ne3A_191 : vector<16xi32>
        %rem3A_193 = vector.broadcast %jit3A_172 : i32 to vector<16xi32>
        %rem3A_194 = arith.remsi %add3A_171, %rem3A_193 : vector<16xi32>
        %ne3A_195 = arith.constant 0 : i32
        %ne3A_196 = vector.broadcast %ne3A_195 : i32 to vector<16xi32>
        %ne3A_197 = arith.cmpi ne, %rem3A_194, %ne3A_196 : vector<16xi32>
        %and3A_198 = arith.andi %ne3A_192, %ne3A_197 : vector<16xi1>
        %sub3A_199 = arith.constant 1 : i32
        %sub3A_200 = vector.broadcast %sub3A_199 : i32 to vector<16xi32>
        %sub3A_201 = arith.subi %div3A_174, %sub3A_200 : vector<16xi32>
        %select_n3A_202 = arith.select %and3A_198, %sub3A_201, %div3A_174 : vector<16xi1>, vector<16xi32>
        %mul3A_203 = arith.constant 10 : i32
        %mul3A_204 = vector.broadcast %mul3A_203 : i32 to vector<16xi32>
        %mul3A_205 = arith.muli %select_n3A_202, %mul3A_204 : vector<16xi32>
        %sub3A_206 = arith.subi %add3A_171, %mul3A_205 : vector<16xi32>
        %add3A_207 = vector.broadcast %mul3A_22 : i32 to vector<16xi32>
        %add3A_208 = arith.addi %add3A_207, %select_n3A_202 : vector<16xi32>
        %gather3A_209 = tpu.vector_load_idx %arg6[%add3A_208] : memref<2048xi32, #tpu.memory_space<vmem>>[vector<16xi32>], vector<16xi32>,
        %mul3A_210 = arith.constant 10 : i32
        %mul3A_211 = vector.broadcast %mul3A_210 : i32 to vector<16xi32>
        %mul3A_212 = arith.muli %gather3A_209, %mul3A_211 : vector<16xi32>
        %add3A_213 = arith.addi %mul3A_212, %sub3A_206 : vector<16xi32>
        %gather3A_214 = tpu.vector_load_idx %arg5[%add3A_213] : memref<170xf32, #tpu.memory_space<vmem>>[vector<16xi32>], vector<16xf32>,
        %mul3A_215 = arith.constant 160 : i32
        %mul3A_216 = arith.muli %scan3A_20, %mul3A_215 : i32
        %add3A_217 = arith.constant 48 : i32
        %add3A_218 = arith.addi %mul3A_216, %add3A_217 : i32
        %swap3A_219 = arith.index_cast %add3A_218 : i32 to index
        %swap3A_220 = tpu.vector_load %arg7[%swap3A_219] {strides = array<i32>} : memref<20480xf32, #tpu.memory_space<vmem>>, vector<16xf32>,
        tpu.vector_store %arg7[%swap3A_219], %gather3A_214 {strides = array<i32>} : memref<20480xf32, #tpu.memory_space<vmem>>, vector<16xf32>,
        %add3A_221 = arith.constant 64 : i32
        %add3A_222 = vector.broadcast %add3A_221 : i32 to vector<16xi32>
        %add3A_223 = arith.addi %iota3A, %add3A_222 : vector<16xi32>
        %jit3A_224 = arith.constant 10 : i32
        %div3A_225 = vector.broadcast %jit3A_224 : i32 to vector<16xi32>
        %div3A_226 = arith.divsi %add3A_223, %div3A_225 : vector<16xi32>
        %sign3A_227 = arith.constant 0 : i32
        %sign3A_228 = vector.broadcast %sign3A_227 : i32 to vector<16xi32>
        %sign3A_229 = arith.cmpi sgt, %add3A_223, %sign3A_228 : vector<16xi32>
        %sign3A_230 = arith.extui %sign3A_229 : vector<16xi1> to vector<16xi32>
        %sign3A_231 = arith.constant 0 : i32
        %sign3A_232 = vector.broadcast %sign3A_231 : i32 to vector<16xi32>
        %sign3A_233 = arith.cmpi slt, %add3A_223, %sign3A_232 : vector<16xi32>
        %sign3A_234 = arith.extui %sign3A_233 : vector<16xi1> to vector<16xi32>
        %sign3A_235 = arith.subi %sign3A_230, %sign3A_234 : vector<16xi32>
        %sign3A_236 = arith.constant 0 : i32
        %sign3A_237 = arith.cmpi sgt, %jit3A_224, %sign3A_236 : i32
        %sign3A_238 = arith.extui %sign3A_237 : i1 to i32
        %sign3A_239 = arith.constant 0 : i32
        %sign3A_240 = arith.cmpi slt, %jit3A_224, %sign3A_239 : i32
        %sign3A_241 = arith.extui %sign3A_240 : i1 to i32
        %sign3A_242 = arith.subi %sign3A_238, %sign3A_241 : i32
        %ne3A_243 = vector.broadcast %sign3A_242 : i32 to vector<16xi32>
        %ne3A_244 = arith.cmpi ne, %sign3A_235, %ne3A_243 : vector<16xi32>
        %rem3A_245 = vector.broadcast %jit3A_224 : i32 to vector<16xi32>
        %rem3A_246 = arith.remsi %add3A_223, %rem3A_245 : vector<16xi32>
        %ne3A_247 = arith.constant 0 : i32
        %ne3A_248 = vector.broadcast %ne3A_247 : i32 to vector<16xi32>
        %ne3A_249 = arith.cmpi ne, %rem3A_246, %ne3A_248 : vector<16xi32>
        %and3A_250 = arith.andi %ne3A_244, %ne3A_249 : vector<16xi1>
        %sub3A_251 = arith.constant 1 : i32
        %sub3A_252 = vector.broadcast %sub3A_251 : i32 to vector<16xi32>
        %sub3A_253 = arith.subi %div3A_226, %sub3A_252 : vector<16xi32>
        %select_n3A_254 = arith.select %and3A_250, %sub3A_253, %div3A_226 : vector<16xi1>, vector<16xi32>
        %mul3A_255 = arith.constant 10 : i32
        %mul3A_256 = vector.broadcast %mul3A_255 : i32 to vector<16xi32>
        %mul3A_257 = arith.muli %select_n3A_254, %mul3A_256 : vector<16xi32>
        %sub3A_258 = arith.subi %add3A_223, %mul3A_257 : vector<16xi32>
        %add3A_259 = vector.broadcast %mul3A_22 : i32 to vector<16xi32>
        %add3A_260 = arith.addi %add3A_259, %select_n3A_254 : vector<16xi32>
        %gather3A_261 = tpu.vector_load_idx %arg6[%add3A_260] : memref<2048xi32, #tpu.memory_space<vmem>>[vector<16xi32>], vector<16xi32>,
        %mul3A_262 = arith.constant 10 : i32
        %mul3A_263 = vector.broadcast %mul3A_262 : i32 to vector<16xi32>
        %mul3A_264 = arith.muli %gather3A_261, %mul3A_263 : vector<16xi32>
        %add3A_265 = arith.addi %mul3A_264, %sub3A_258 : vector<16xi32>
        %gather3A_266 = tpu.vector_load_idx %arg5[%add3A_265] : memref<170xf32, #tpu.memory_space<vmem>>[vector<16xi32>], vector<16xf32>,
        %mul3A_267 = arith.constant 160 : i32
        %mul3A_268 = arith.muli %scan3A_20, %mul3A_267 : i32
        %add3A_269 = arith.constant 64 : i32
        %add3A_270 = arith.addi %mul3A_268, %add3A_269 : i32
        %swap3A_271 = arith.index_cast %add3A_270 : i32 to index
        %swap3A_272 = tpu.vector_load %arg7[%swap3A_271] {strides = array<i32>} : memref<20480xf32, #tpu.memory_space<vmem>>, vector<16xf32>,
        tpu.vector_store %arg7[%swap3A_271], %gather3A_266 {strides = array<i32>} : memref<20480xf32, #tpu.memory_space<vmem>>, vector<16xf32>,
        %add3A_273 = arith.constant 80 : i32
        %add3A_274 = vector.broadcast %add3A_273 : i32 to vector<16xi32>
        %add3A_275 = arith.addi %iota3A, %add3A_274 : vector<16xi32>
        %jit3A_276 = arith.constant 10 : i32
        %div3A_277 = vector.broadcast %jit3A_276 : i32 to vector<16xi32>
        %div3A_278 = arith.divsi %add3A_275, %div3A_277 : vector<16xi32>
        %sign3A_279 = arith.constant 0 : i32
        %sign3A_280 = vector.broadcast %sign3A_279 : i32 to vector<16xi32>
        %sign3A_281 = arith.cmpi sgt, %add3A_275, %sign3A_280 : vector<16xi32>
        %sign3A_282 = arith.extui %sign3A_281 : vector<16xi1> to vector<16xi32>
        %sign3A_283 = arith.constant 0 : i32
        %sign3A_284 = vector.broadcast %sign3A_283 : i32 to vector<16xi32>
        %sign3A_285 = arith.cmpi slt, %add3A_275, %sign3A_284 : vector<16xi32>
        %sign3A_286 = arith.extui %sign3A_285 : vector<16xi1> to vector<16xi32>
        %sign3A_287 = arith.subi %sign3A_282, %sign3A_286 : vector<16xi32>
        %sign3A_288 = arith.constant 0 : i32
        %sign3A_289 = arith.cmpi sgt, %jit3A_276, %sign3A_288 : i32
        %sign3A_290 = arith.extui %sign3A_289 : i1 to i32
        %sign3A_291 = arith.constant 0 : i32
        %sign3A_292 = arith.cmpi slt, %jit3A_276, %sign3A_291 : i32
        %sign3A_293 = arith.extui %sign3A_292 : i1 to i32
        %sign3A_294 = arith.subi %sign3A_290, %sign3A_293 : i32
        %ne3A_295 = vector.broadcast %sign3A_294 : i32 to vector<16xi32>
        %ne3A_296 = arith.cmpi ne, %sign3A_287, %ne3A_295 : vector<16xi32>
        %rem3A_297 = vector.broadcast %jit3A_276 : i32 to vector<16xi32>
        %rem3A_298 = arith.remsi %add3A_275, %rem3A_297 : vector<16xi32>
        %ne3A_299 = arith.constant 0 : i32
        %ne3A_300 = vector.broadcast %ne3A_299 : i32 to vector<16xi32>
        %ne3A_301 = arith.cmpi ne, %rem3A_298, %ne3A_300 : vector<16xi32>
        %and3A_302 = arith.andi %ne3A_296, %ne3A_301 : vector<16xi1>
        %sub3A_303 = arith.constant 1 : i32
        %sub3A_304 = vector.broadcast %sub3A_303 : i32 to vector<16xi32>
        %sub3A_305 = arith.subi %div3A_278, %sub3A_304 : vector<16xi32>
        %select_n3A_306 = arith.select %and3A_302, %sub3A_305, %div3A_278 : vector<16xi1>, vector<16xi32>
        %mul3A_307 = arith.constant 10 : i32
        %mul3A_308 = vector.broadcast %mul3A_307 : i32 to vector<16xi32>
        %mul3A_309 = arith.muli %select_n3A_306, %mul3A_308 : vector<16xi32>
        %sub3A_310 = arith.subi %add3A_275, %mul3A_309 : vector<16xi32>
        %add3A_311 = vector.broadcast %mul3A_22 : i32 to vector<16xi32>
        %add3A_312 = arith.addi %add3A_311, %select_n3A_306 : vector<16xi32>
        %gather3A_313 = tpu.vector_load_idx %arg6[%add3A_312] : memref<2048xi32, #tpu.memory_space<vmem>>[vector<16xi32>], vector<16xi32>,
        %mul3A_314 = arith.constant 10 : i32
        %mul3A_315 = vector.broadcast %mul3A_314 : i32 to vector<16xi32>
        %mul3A_316 = arith.muli %gather3A_313, %mul3A_315 : vector<16xi32>
        %add3A_317 = arith.addi %mul3A_316, %sub3A_310 : vector<16xi32>
        %gather3A_318 = tpu.vector_load_idx %arg5[%add3A_317] : memref<170xf32, #tpu.memory_space<vmem>>[vector<16xi32>], vector<16xf32>,
        %mul3A_319 = arith.constant 160 : i32
        %mul3A_320 = arith.muli %scan3A_20, %mul3A_319 : i32
        %add3A_321 = arith.constant 80 : i32
        %add3A_322 = arith.addi %mul3A_320, %add3A_321 : i32
        %swap3A_323 = arith.index_cast %add3A_322 : i32 to index
        %swap3A_324 = tpu.vector_load %arg7[%swap3A_323] {strides = array<i32>} : memref<20480xf32, #tpu.memory_space<vmem>>, vector<16xf32>,
        tpu.vector_store %arg7[%swap3A_323], %gather3A_318 {strides = array<i32>} : memref<20480xf32, #tpu.memory_space<vmem>>, vector<16xf32>,
        %add3A_325 = arith.constant 96 : i32
        %add3A_326 = vector.broadcast %add3A_325 : i32 to vector<16xi32>
        %add3A_327 = arith.addi %iota3A, %add3A_326 : vector<16xi32>
        %jit3A_328 = arith.constant 10 : i32
        %div3A_329 = vector.broadcast %jit3A_328 : i32 to vector<16xi32>
        %div3A_330 = arith.divsi %add3A_327, %div3A_329 : vector<16xi32>
        %sign3A_331 = arith.constant 0 : i32
        %sign3A_332 = vector.broadcast %sign3A_331 : i32 to vector<16xi32>
        %sign3A_333 = arith.cmpi sgt, %add3A_327, %sign3A_332 : vector<16xi32>
        %sign3A_334 = arith.extui %sign3A_333 : vector<16xi1> to vector<16xi32>
        %sign3A_335 = arith.constant 0 : i32
        %sign3A_336 = vector.broadcast %sign3A_335 : i32 to vector<16xi32>
        %sign3A_337 = arith.cmpi slt, %add3A_327, %sign3A_336 : vector<16xi32>
        %sign3A_338 = arith.extui %sign3A_337 : vector<16xi1> to vector<16xi32>
        %sign3A_339 = arith.subi %sign3A_334, %sign3A_338 : vector<16xi32>
        %sign3A_340 = arith.constant 0 : i32
        %sign3A_341 = arith.cmpi sgt, %jit3A_328, %sign3A_340 : i32
        %sign3A_342 = arith.extui %sign3A_341 : i1 to i32
        %sign3A_343 = arith.constant 0 : i32
        %sign3A_344 = arith.cmpi slt, %jit3A_328, %sign3A_343 : i32
        %sign3A_345 = arith.extui %sign3A_344 : i1 to i32
        %sign3A_346 = arith.subi %sign3A_342, %sign3A_345 : i32
        %ne3A_347 = vector.broadcast %sign3A_346 : i32 to vector<16xi32>
        %ne3A_348 = arith.cmpi ne, %sign3A_339, %ne3A_347 : vector<16xi32>
        %rem3A_349 = vector.broadcast %jit3A_328 : i32 to vector<16xi32>
        %rem3A_350 = arith.remsi %add3A_327, %rem3A_349 : vector<16xi32>
        %ne3A_351 = arith.constant 0 : i32
        %ne3A_352 = vector.broadcast %ne3A_351 : i32 to vector<16xi32>
        %ne3A_353 = arith.cmpi ne, %rem3A_350, %ne3A_352 : vector<16xi32>
        %and3A_354 = arith.andi %ne3A_348, %ne3A_353 : vector<16xi1>
        %sub3A_355 = arith.constant 1 : i32
        %sub3A_356 = vector.broadcast %sub3A_355 : i32 to vector<16xi32>
        %sub3A_357 = arith.subi %div3A_330, %sub3A_356 : vector<16xi32>
        %select_n3A_358 = arith.select %and3A_354, %sub3A_357, %div3A_330 : vector<16xi1>, vector<16xi32>
        %mul3A_359 = arith.constant 10 : i32
        %mul3A_360 = vector.broadcast %mul3A_359 : i32 to vector<16xi32>
        %mul3A_361 = arith.muli %select_n3A_358, %mul3A_360 : vector<16xi32>
        %sub3A_362 = arith.subi %add3A_327, %mul3A_361 : vector<16xi32>
        %add3A_363 = vector.broadcast %mul3A_22 : i32 to vector<16xi32>
        %add3A_364 = arith.addi %add3A_363, %select_n3A_358 : vector<16xi32>
        %gather3A_365 = tpu.vector_load_idx %arg6[%add3A_364] : memref<2048xi32, #tpu.memory_space<vmem>>[vector<16xi32>], vector<16xi32>,
        %mul3A_366 = arith.constant 10 : i32
        %mul3A_367 = vector.broadcast %mul3A_366 : i32 to vector<16xi32>
        %mul3A_368 = arith.muli %gather3A_365, %mul3A_367 : vector<16xi32>
        %add3A_369 = arith.addi %mul3A_368, %sub3A_362 : vector<16xi32>
        %gather3A_370 = tpu.vector_load_idx %arg5[%add3A_369] : memref<170xf32, #tpu.memory_space<vmem>>[vector<16xi32>], vector<16xf32>,
        %mul3A_371 = arith.constant 160 : i32
        %mul3A_372 = arith.muli %scan3A_20, %mul3A_371 : i32
        %add3A_373 = arith.constant 96 : i32
        %add3A_374 = arith.addi %mul3A_372, %add3A_373 : i32
        %swap3A_375 = arith.index_cast %add3A_374 : i32 to index
        %swap3A_376 = tpu.vector_load %arg7[%swap3A_375] {strides = array<i32>} : memref<20480xf32, #tpu.memory_space<vmem>>, vector<16xf32>,
        tpu.vector_store %arg7[%swap3A_375], %gather3A_370 {strides = array<i32>} : memref<20480xf32, #tpu.memory_space<vmem>>, vector<16xf32>,
        %add3A_377 = arith.constant 112 : i32
        %add3A_378 = vector.broadcast %add3A_377 : i32 to vector<16xi32>
        %add3A_379 = arith.addi %iota3A, %add3A_378 : vector<16xi32>
        %jit3A_380 = arith.constant 10 : i32
        %div3A_381 = vector.broadcast %jit3A_380 : i32 to vector<16xi32>
        %div3A_382 = arith.divsi %add3A_379, %div3A_381 : vector<16xi32>
        %sign3A_383 = arith.constant 0 : i32
        %sign3A_384 = vector.broadcast %sign3A_383 : i32 to vector<16xi32>
        %sign3A_385 = arith.cmpi sgt, %add3A_379, %sign3A_384 : vector<16xi32>
        %sign3A_386 = arith.extui %sign3A_385 : vector<16xi1> to vector<16xi32>
        %sign3A_387 = arith.constant 0 : i32
        %sign3A_388 = vector.broadcast %sign3A_387 : i32 to vector<16xi32>
        %sign3A_389 = arith.cmpi slt, %add3A_379, %sign3A_388 : vector<16xi32>
        %sign3A_390 = arith.extui %sign3A_389 : vector<16xi1> to vector<16xi32>
        %sign3A_391 = arith.subi %sign3A_386, %sign3A_390 : vector<16xi32>
        %sign3A_392 = arith.constant 0 : i32
        %sign3A_393 = arith.cmpi sgt, %jit3A_380, %sign3A_392 : i32
        %sign3A_394 = arith.extui %sign3A_393 : i1 to i32
        %sign3A_395 = arith.constant 0 : i32
        %sign3A_396 = arith.cmpi slt, %jit3A_380, %sign3A_395 : i32
        %sign3A_397 = arith.extui %sign3A_396 : i1 to i32
        %sign3A_398 = arith.subi %sign3A_394, %sign3A_397 : i32
        %ne3A_399 = vector.broadcast %sign3A_398 : i32 to vector<16xi32>
        %ne3A_400 = arith.cmpi ne, %sign3A_391, %ne3A_399 : vector<16xi32>
        %rem3A_401 = vector.broadcast %jit3A_380 : i32 to vector<16xi32>
        %rem3A_402 = arith.remsi %add3A_379, %rem3A_401 : vector<16xi32>
        %ne3A_403 = arith.constant 0 : i32
        %ne3A_404 = vector.broadcast %ne3A_403 : i32 to vector<16xi32>
        %ne3A_405 = arith.cmpi ne, %rem3A_402, %ne3A_404 : vector<16xi32>
        %and3A_406 = arith.andi %ne3A_400, %ne3A_405 : vector<16xi1>
        %sub3A_407 = arith.constant 1 : i32
        %sub3A_408 = vector.broadcast %sub3A_407 : i32 to vector<16xi32>
        %sub3A_409 = arith.subi %div3A_382, %sub3A_408 : vector<16xi32>
        %select_n3A_410 = arith.select %and3A_406, %sub3A_409, %div3A_382 : vector<16xi1>, vector<16xi32>
        %mul3A_411 = arith.constant 10 : i32
        %mul3A_412 = vector.broadcast %mul3A_411 : i32 to vector<16xi32>
        %mul3A_413 = arith.muli %select_n3A_410, %mul3A_412 : vector<16xi32>
        %sub3A_414 = arith.subi %add3A_379, %mul3A_413 : vector<16xi32>
        %add3A_415 = vector.broadcast %mul3A_22 : i32 to vector<16xi32>
        %add3A_416 = arith.addi %add3A_415, %select_n3A_410 : vector<16xi32>
        %gather3A_417 = tpu.vector_load_idx %arg6[%add3A_416] : memref<2048xi32, #tpu.memory_space<vmem>>[vector<16xi32>], vector<16xi32>,
        %mul3A_418 = arith.constant 10 : i32
        %mul3A_419 = vector.broadcast %mul3A_418 : i32 to vector<16xi32>
        %mul3A_420 = arith.muli %gather3A_417, %mul3A_419 : vector<16xi32>
        %add3A_421 = arith.addi %mul3A_420, %sub3A_414 : vector<16xi32>
        %gather3A_422 = tpu.vector_load_idx %arg5[%add3A_421] : memref<170xf32, #tpu.memory_space<vmem>>[vector<16xi32>], vector<16xf32>,
        %mul3A_423 = arith.constant 160 : i32
        %mul3A_424 = arith.muli %scan3A_20, %mul3A_423 : i32
        %add3A_425 = arith.constant 112 : i32
        %add3A_426 = arith.addi %mul3A_424, %add3A_425 : i32
        %swap3A_427 = arith.index_cast %add3A_426 : i32 to index
        %swap3A_428 = tpu.vector_load %arg7[%swap3A_427] {strides = array<i32>} : memref<20480xf32, #tpu.memory_space<vmem>>, vector<16xf32>,
        tpu.vector_store %arg7[%swap3A_427], %gather3A_422 {strides = array<i32>} : memref<20480xf32, #tpu.memory_space<vmem>>, vector<16xf32>,
        %add3A_429 = arith.constant 128 : i32
        %add3A_430 = vector.broadcast %add3A_429 : i32 to vector<16xi32>
        %add3A_431 = arith.addi %iota3A, %add3A_430 : vector<16xi32>
        %jit3A_432 = arith.constant 10 : i32
        %div3A_433 = vector.broadcast %jit3A_432 : i32 to vector<16xi32>
        %div3A_434 = arith.divsi %add3A_431, %div3A_433 : vector<16xi32>
        %sign3A_435 = arith.constant 0 : i32
        %sign3A_436 = vector.broadcast %sign3A_435 : i32 to vector<16xi32>
        %sign3A_437 = arith.cmpi sgt, %add3A_431, %sign3A_436 : vector<16xi32>
        %sign3A_438 = arith.extui %sign3A_437 : vector<16xi1> to vector<16xi32>
        %sign3A_439 = arith.constant 0 : i32
        %sign3A_440 = vector.broadcast %sign3A_439 : i32 to vector<16xi32>
        %sign3A_441 = arith.cmpi slt, %add3A_431, %sign3A_440 : vector<16xi32>
        %sign3A_442 = arith.extui %sign3A_441 : vector<16xi1> to vector<16xi32>
        %sign3A_443 = arith.subi %sign3A_438, %sign3A_442 : vector<16xi32>
        %sign3A_444 = arith.constant 0 : i32
        %sign3A_445 = arith.cmpi sgt, %jit3A_432, %sign3A_444 : i32
        %sign3A_446 = arith.extui %sign3A_445 : i1 to i32
        %sign3A_447 = arith.constant 0 : i32
        %sign3A_448 = arith.cmpi slt, %jit3A_432, %sign3A_447 : i32
        %sign3A_449 = arith.extui %sign3A_448 : i1 to i32
        %sign3A_450 = arith.subi %sign3A_446, %sign3A_449 : i32
        %ne3A_451 = vector.broadcast %sign3A_450 : i32 to vector<16xi32>
        %ne3A_452 = arith.cmpi ne, %sign3A_443, %ne3A_451 : vector<16xi32>
        %rem3A_453 = vector.broadcast %jit3A_432 : i32 to vector<16xi32>
        %rem3A_454 = arith.remsi %add3A_431, %rem3A_453 : vector<16xi32>
        %ne3A_455 = arith.constant 0 : i32
        %ne3A_456 = vector.broadcast %ne3A_455 : i32 to vector<16xi32>
        %ne3A_457 = arith.cmpi ne, %rem3A_454, %ne3A_456 : vector<16xi32>
        %and3A_458 = arith.andi %ne3A_452, %ne3A_457 : vector<16xi1>
        %sub3A_459 = arith.constant 1 : i32
        %sub3A_460 = vector.broadcast %sub3A_459 : i32 to vector<16xi32>
        %sub3A_461 = arith.subi %div3A_434, %sub3A_460 : vector<16xi32>
        %select_n3A_462 = arith.select %and3A_458, %sub3A_461, %div3A_434 : vector<16xi1>, vector<16xi32>
        %mul3A_463 = arith.constant 10 : i32
        %mul3A_464 = vector.broadcast %mul3A_463 : i32 to vector<16xi32>
        %mul3A_465 = arith.muli %select_n3A_462, %mul3A_464 : vector<16xi32>
        %sub3A_466 = arith.subi %add3A_431, %mul3A_465 : vector<16xi32>
        %add3A_467 = vector.broadcast %mul3A_22 : i32 to vector<16xi32>
        %add3A_468 = arith.addi %add3A_467, %select_n3A_462 : vector<16xi32>
        %gather3A_469 = tpu.vector_load_idx %arg6[%add3A_468] : memref<2048xi32, #tpu.memory_space<vmem>>[vector<16xi32>], vector<16xi32>,
        %mul3A_470 = arith.constant 10 : i32
        %mul3A_471 = vector.broadcast %mul3A_470 : i32 to vector<16xi32>
        %mul3A_472 = arith.muli %gather3A_469, %mul3A_471 : vector<16xi32>
        %add3A_473 = arith.addi %mul3A_472, %sub3A_466 : vector<16xi32>
        %gather3A_474 = tpu.vector_load_idx %arg5[%add3A_473] : memref<170xf32, #tpu.memory_space<vmem>>[vector<16xi32>], vector<16xf32>,
        %mul3A_475 = arith.constant 160 : i32
        %mul3A_476 = arith.muli %scan3A_20, %mul3A_475 : i32
        %add3A_477 = arith.constant 128 : i32
        %add3A_478 = arith.addi %mul3A_476, %add3A_477 : i32
        %swap3A_479 = arith.index_cast %add3A_478 : i32 to index
        %swap3A_480 = tpu.vector_load %arg7[%swap3A_479] {strides = array<i32>} : memref<20480xf32, #tpu.memory_space<vmem>>, vector<16xf32>,
        tpu.vector_store %arg7[%swap3A_479], %gather3A_474 {strides = array<i32>} : memref<20480xf32, #tpu.memory_space<vmem>>, vector<16xf32>,
        %add3A_481 = arith.constant 144 : i32
        %add3A_482 = vector.broadcast %add3A_481 : i32 to vector<16xi32>
        %add3A_483 = arith.addi %iota3A, %add3A_482 : vector<16xi32>
        %jit3A_484 = arith.constant 10 : i32
        %div3A_485 = vector.broadcast %jit3A_484 : i32 to vector<16xi32>
        %div3A_486 = arith.divsi %add3A_483, %div3A_485 : vector<16xi32>
        %sign3A_487 = arith.constant 0 : i32
        %sign3A_488 = vector.broadcast %sign3A_487 : i32 to vector<16xi32>
        %sign3A_489 = arith.cmpi sgt, %add3A_483, %sign3A_488 : vector<16xi32>
        %sign3A_490 = arith.extui %sign3A_489 : vector<16xi1> to vector<16xi32>
        %sign3A_491 = arith.constant 0 : i32
        %sign3A_492 = vector.broadcast %sign3A_491 : i32 to vector<16xi32>
        %sign3A_493 = arith.cmpi slt, %add3A_483, %sign3A_492 : vector<16xi32>
        %sign3A_494 = arith.extui %sign3A_493 : vector<16xi1> to vector<16xi32>
        %sign3A_495 = arith.subi %sign3A_490, %sign3A_494 : vector<16xi32>
        %sign3A_496 = arith.constant 0 : i32
        %sign3A_497 = arith.cmpi sgt, %jit3A_484, %sign3A_496 : i32
        %sign3A_498 = arith.extui %sign3A_497 : i1 to i32
        %sign3A_499 = arith.constant 0 : i32
        %sign3A_500 = arith.cmpi slt, %jit3A_484, %sign3A_499 : i32
        %sign3A_501 = arith.extui %sign3A_500 : i1 to i32
        %sign3A_502 = arith.subi %sign3A_498, %sign3A_501 : i32
        %ne3A_503 = vector.broadcast %sign3A_502 : i32 to vector<16xi32>
        %ne3A_504 = arith.cmpi ne, %sign3A_495, %ne3A_503 : vector<16xi32>
        %rem3A_505 = vector.broadcast %jit3A_484 : i32 to vector<16xi32>
        %rem3A_506 = arith.remsi %add3A_483, %rem3A_505 : vector<16xi32>
        %ne3A_507 = arith.constant 0 : i32
        %ne3A_508 = vector.broadcast %ne3A_507 : i32 to vector<16xi32>
        %ne3A_509 = arith.cmpi ne, %rem3A_506, %ne3A_508 : vector<16xi32>
        %and3A_510 = arith.andi %ne3A_504, %ne3A_509 : vector<16xi1>
        %sub3A_511 = arith.constant 1 : i32
        %sub3A_512 = vector.broadcast %sub3A_511 : i32 to vector<16xi32>
        %sub3A_513 = arith.subi %div3A_486, %sub3A_512 : vector<16xi32>
        %select_n3A_514 = arith.select %and3A_510, %sub3A_513, %div3A_486 : vector<16xi1>, vector<16xi32>
        %mul3A_515 = arith.constant 10 : i32
        %mul3A_516 = vector.broadcast %mul3A_515 : i32 to vector<16xi32>
        %mul3A_517 = arith.muli %select_n3A_514, %mul3A_516 : vector<16xi32>
        %sub3A_518 = arith.subi %add3A_483, %mul3A_517 : vector<16xi32>
        %add3A_519 = vector.broadcast %mul3A_22 : i32 to vector<16xi32>
        %add3A_520 = arith.addi %add3A_519, %select_n3A_514 : vector<16xi32>
        %gather3A_521 = tpu.vector_load_idx %arg6[%add3A_520] : memref<2048xi32, #tpu.memory_space<vmem>>[vector<16xi32>], vector<16xi32>,
        %mul3A_522 = arith.constant 10 : i32
        %mul3A_523 = vector.broadcast %mul3A_522 : i32 to vector<16xi32>
        %mul3A_524 = arith.muli %gather3A_521, %mul3A_523 : vector<16xi32>
        %add3A_525 = arith.addi %mul3A_524, %sub3A_518 : vector<16xi32>
        %gather3A_526 = tpu.vector_load_idx %arg5[%add3A_525] : memref<170xf32, #tpu.memory_space<vmem>>[vector<16xi32>], vector<16xf32>,
        %mul3A_527 = arith.constant 160 : i32
        %mul3A_528 = arith.muli %scan3A_20, %mul3A_527 : i32
        %add3A_529 = arith.constant 144 : i32
        %add3A_530 = arith.addi %mul3A_528, %add3A_529 : i32
        %swap3A_531 = arith.index_cast %add3A_530 : i32 to index
        %swap3A_532 = tpu.vector_load %arg7[%swap3A_531] {strides = array<i32>} : memref<20480xf32, #tpu.memory_space<vmem>>, vector<16xf32>,
        tpu.vector_store %arg7[%swap3A_531], %gather3A_526 {strides = array<i32>} : memref<20480xf32, #tpu.memory_space<vmem>>, vector<16xf32>,
      }
      %scan3A_17 = arith.constant 128 : i32
      %mul3A_18 = arith.constant 10 : i32
      %mul3A_19 = arith.muli %add3A_11, %mul3A_18 : i32
      "tpu.region"() ({
        %run_scoped3A = tpu.sem_alloc : memref<!tpu.dma_semaphore, #tpu.memory_space<semaphore_mem>>
        %dma_start3A = tpu.memref_slice %arg4[%mul3A_19] : memref<32768000xf32, #tpu.memory_space<hbm>> -> memref<20480xf32, #tpu.memory_space<hbm>>
        %dma_start3A_20 = tpu.memref_slice %arg4[%mul3A_19] : memref<32768000xf32, #tpu.memory_space<hbm>> -> memref<20480xf32, #tpu.memory_space<hbm>>
        tpu.enqueue_dma source(%arg7 : memref<20480xf32, #tpu.memory_space<vmem>>) target(%dma_start3A_20 : memref<20480xf32, #tpu.memory_space<hbm>>) target_semaphore(%run_scoped3A : memref<!tpu.dma_semaphore, #tpu.memory_space<semaphore_mem>>)
        %dma_wait3A = tpu.memref_slice %arg4[%mul3A_19] : memref<32768000xf32, #tpu.memory_space<hbm>> -> memref<20480xf32, #tpu.memory_space<hbm>>
        %dma_wait3A_21 = tpu.memref_slice %arg4[%mul3A_19] : memref<32768000xf32, #tpu.memory_space<hbm>> -> memref<20480xf32, #tpu.memory_space<hbm>>
        tpu.wait_dma2 semaphore(%run_scoped3A : memref<!tpu.dma_semaphore, #tpu.memory_space<semaphore_mem>>) src(%arg7 : memref<20480xf32, #tpu.memory_space<vmem>>) dst(%dma_wait3A_21 : memref<20480xf32, #tpu.memory_space<hbm>>)
        tpu.yield
      }) : () -> ()
    }
    %scan3A_7 = arith.constant 50 : i32
    return
  }
}

</mosaic_0001>

<sc_bundles>
// kernel: kernel.3.cloned.1.call-start
scs
__scs_entry_jumppad:
0x0: {  	(pc) =	sbr.rel $0x88, $3  }
0x1: {  	(tag) =	ssettag $0x0;
	lr =	simm.s32 $0x1  }
0x2: {  	[smem:$0x3F9F] =	sst lr;
	_ =	strace $0xD0000000  }
0x3: {  	_ = 	snop  }
0x4: {  	_ = 	snop  }
0x5: {  	_ = 	snop  }
0x6: {  	_ = 	snop  }
0x7: {  	_ = 	snop  }
__scs_overlays_trampoline_lowered:
0x8: {  	[smem:$0x3FAE] =	sst s0  }
0x9: {  	[smem:$0x3FAF] =	sst s1  }
0xa: {  	[smem:$0x3FB0] =	sst s2  }
0xb: {  	[smem:$0x3FB1] =	sst s3  }
0xc: {  	[smem:$0x3FB2] =	sst s4  }
0xd: {  	[smem:$0x3FB3] =	sst s5  }
0xe: {  	[smem:$0x3FB4] =	sst s6  }
0xf: {  	[smem:$0x3FB5] =	sst s7  }
0x10: {  	[smem:$0x3FB6] =	sst s8  }
0x11: {  	[smem:$0x3FB7] =	sst s9;
	s0 =	simm.s32 @!p0 $0x0  }
0x12: {  	s1 =	sld [smem:$0x3F9D];
	s0 =	simm.s32 @p0 $0x1  }
0x13: {  	[smem:$0x3FB8] =	sst s0;
	s0 =	simm.s32 @!p1 $0x0  }
0x14: {  	s2 =	sld [smem:$0x3F9C];
	s0 =	simm.s32 @p1 $0x1  }
0x15: {  	[smem:$0x3FB9] =	sst s0;
	s0 =	simm.s32 @!p2 $0x0  }
0x16: {  	s3 =	sld [smem:$0x3FDB];
	s0 =	simm.s32 @p2 $0x1  }
0x17: {  	s4 =	simm.s32 $0x1BF5;
	[smem:$0x3FBB] =	sst s0  }
0x18: {  	s0 =	sld [smem:$0x3F9E];
	_ =	swait.ge [sflag:s4], $0x0  }
0x19: {  	s7 =	sld [smem:$0x3F9F]  }
0x1a: {  	s8 =	sadd.s32 $0xFFFFE003, lr  }
0x1b: {  	s9 =	sadd.s32 $0xFFFFFEF7, lr;
	s5 =	simm.s32 $0xFFFFFFFF;
	p2 =	slt.u32 s8, $0xFFFFF086  }
0x1c: {  	p1 =	slt.u32 s9, $0xF7A;
	s5 =	simm.s32 @!p2 $0x0  }
0x1d: {  	s5 =	simm.s32 @p1 $0x1;
	p0 =	seq.s32 s7, s2  }
0x1e: {  	s7 =	smul.u32 @!p0 $0xF7A, s2;
	p2 =	seq.s32 @!p0 s5, $0x0  }
0x1f: {  	s9 =	smul.u32 $0xF7A, s1;
	s8 =	simm.s32 @!p0 $0x1BF5;
	p2 =	por !p2, p0  }
0x20: {  	[sflag:s8] =	ssyncset.s32 @!p0 $0xFFFFF086;
	s6 =	sadd.s32 @!p0 s3, s7;
	s7 =	simm.s32 @!p0 $0x108  }
0x21: {  	s3 =	sadd.s32 s3, s9;
	s6 =	sadd.s32 @!p0 $0x88, s6;
	s7 =	simm.s32 @p2 $0x1082  }
0x22: {  	[simem:s7], [sflag:s8] =	dma.local @!p0 [hbm:s6], $0xF7A  }
0x23: {  	s9 =	sor.u32 $0xD0000000, s2;
	s6 =	simm.s32 $0x108;
	_ =	swait.ge @!p0 [sflag:s8], $0x0  }
0x24: {  	s3 =	sadd.s32 $0x88, s3;
	s6 =	simm.s32 @!p1 $0x1082;
	[sflag:s4] =	ssyncset.s32 $0xFFFFF086  }
0x25: {  	[simem:s6], [sflag:s4] =	dma.local [hbm:s3], $0xF7A  }
0x26: {  	[smem:$0x3F9F] =	sst s1;
	(tag) =	ssettag s2;
	_ =	strace s9  }
0x27: {  	s1 =	sld [smem:$0x3FAF]  }
0x28: {  	s2 =	sld [smem:$0x3FB0]  }
0x29: {  	s4 =	sld [smem:$0x3FB2]  }
0x2a: {  	p0 =	seq.s32 s5, $0x0;
	s5 =	sld [smem:$0x3FB3]  }
0x2b: {  	s6 =	sld [smem:$0x3FB4]  }
0x2c: {  	s7 =	sld [smem:$0x3FB5]  }
0x2d: {  	s3 =	simm.s32 $0x108;
	s8 =	sld [smem:$0x3FB6]  }
0x2e: {  	s3 =	simm.s32 @!p0 $0x1082;
	s9 =	sld [smem:$0x3FB7]  }
0x2f: {  	lr =	sadd.s32 s0, s3;
	s0 =	sld [smem:$0x3FAE]  }
0x30: {  	s3 =	sld [smem:$0x3FB1]  }
0x31: {  	[smem:$0x3FBA] =	sst s10  }
0x32: {  	s10 =	sld [smem:$0x3FB8];
	_ =	sdelay $0x3  }
0x33: {  	p0 =	seq.s32 s10, $0x1;
	s10 =	sld [smem:$0x3FBA];
	_ =	sdelay $0x3  }
0x34: {  	[smem:$0x3FBA] =	sst s10  }
0x35: {  	s10 =	sld [smem:$0x3FB9];
	_ =	sdelay $0x3  }
0x36: {  	p1 =	seq.s32 s10, $0x1;
	s10 =	sld [smem:$0x3FBA];
	_ =	sdelay $0x3  }
0x37: {  	[smem:$0x3FBA] =	sst s10  }
0x38: {  	s10 =	sld [smem:$0x3FBB]  }
0x39: {  	_ = 	snop;
	(pc) =	sbr.ind lr, $3  }
0x3a: {  	_ = 	snop  }
0x3b: {  	_ = 	snop  }
0x3c: {  	p2 =	seq.s32 s10, $0x1;
	s10 =	sld [smem:$0x3FBA]  }
0x3d: {  	_ =	shalt  }
0x3e: {  	_ =	shalt  }
0x3f: {  	_ =	shalt  }
0x40: {  	_ =	shalt  }
0x41: {  	_ =	shalt  }
0x42: {  	_ =	shalt  }
0x43: {  	_ =	shalt  }
0x44: {  	_ =	shalt  }
0x45: {  	_ =	shalt  }
0x46: {  	_ =	shalt  }
0x47: {  	_ =	shalt  }
0x48: {  	_ =	shalt  }
0x49: {  	_ =	shalt  }
0x4a: {  	_ =	shalt  }
0x4b: {  	_ =	shalt  }
0x4c: {  	_ =	shalt  }
0x4d: {  	_ =	shalt  }
0x4e: {  	_ =	shalt  }
0x4f: {  	_ =	shalt  }
0x50: {  	_ =	shalt  }
0x51: {  	_ =	shalt  }
0x52: {  	_ =	shalt  }
0x53: {  	_ =	shalt  }
0x54: {  	_ =	shalt  }
0x55: {  	_ =	shalt  }
0x56: {  	_ =	shalt  }
0x57: {  	_ =	shalt  }
0x58: {  	_ =	shalt  }
0x59: {  	_ =	shalt  }
0x5a: {  	_ =	shalt  }
0x5b: {  	_ =	shalt  }
0x5c: {  	_ =	shalt  }
0x5d: {  	_ =	shalt  }
0x5e: {  	_ =	shalt  }
0x5f: {  	_ =	shalt  }
0x60: {  	_ =	shalt  }
0x61: {  	_ =	shalt  }
0x62: {  	_ =	shalt  }
0x63: {  	_ =	shalt  }
0x64: {  	_ =	shalt  }
0x65: {  	_ =	shalt  }
0x66: {  	_ =	shalt  }
0x67: {  	_ =	shalt  }
0x68: {  	_ =	shalt  }
0x69: {  	_ =	shalt  }
0x6a: {  	_ =	shalt  }
0x6b: {  	_ =	shalt  }
0x6c: {  	_ =	shalt  }
0x6d: {  	_ =	shalt  }
0x6e: {  	_ =	shalt  }
0x6f: {  	_ =	shalt  }
0x70: {  	_ =	shalt  }
0x71: {  	_ =	shalt  }
0x72: {  	_ =	shalt  }
0x73: {  	_ =	shalt  }
0x74: {  	_ =	shalt  }
0x75: {  	_ =	shalt  }
0x76: {  	_ =	shalt  }
0x77: {  	_ =	shalt  }
0x78: {  	_ =	shalt  }
0x79: {  	_ =	shalt  }
0x7a: {  	_ =	shalt  }
0x7b: {  	_ =	shalt  }
0x7c: {  	_ =	shalt  }
0x7d: {  	_ =	shalt  }
0x7e: {  	_ =	shalt  }
0x7f: {  	_ =	shalt  }
0x80: {  	_ =	shalt  }
0x81: {  	_ =	shalt  }
0x82: {  	_ =	shalt  }
0x83: {  	_ =	shalt  }
0x84: {  	_ =	shalt  }
0x85: {  	_ =	shalt  }
0x86: {  	_ =	shalt  }
0x87: {  	_ =	shalt  }
.Lfunc_end0:
.L_simem_size_0:
called_computation.1_lowered:
.L_overlay_start_0:
0x88: {  	s2 =	sld [smem:$0x3FD9]  }
0x89: {  	s3 =	sld [smem:$0x3FFE];
	_ =	sdelay $0x1  }
0x8a: {  	s1 =	srdreg.scid  }
0x8b: {  	s0 =	sand.u32 $0x1, s1  }
0x8c: {  	s17 =	sshll.u32 s0, $0xA;
	s2 =	sadd.s32 s3, s2  }
0x8d: {  	s2 =	sadd.s32 s2, s17  }
0x8e: {  	[smem:$0x3FC6] =	sst s2  }
0x8f: {  	_ = 	snop  }
0x90: {  	s2 =	sld [smem:$0x3FD0];
	(tm) =	ssettm $0x1  }
0x91: {  	s18 =	sld [smem:$0x3FFB];
	_ =	sdelay $0x3  }
0x92: {  	_ =	strace s18  }
0x93: {  	s3 =	sld [smem:$0x3FFC];
	_ =	sdelay $0x3  }
0x94: {  	_ =	strace s3  }
0x95: {  	s3 =	sld [smem:$0x3FFD];
	_ =	sdelay $0x3  }
0x96: {  	_ =	strace s3  }
0x97: {  	_ =	strace $0x8FFFFFFF  }
0x98: {  	s19 =	sld [smem:$0x3FDB];
	_ =	sdelay $0x1  }
0x99: {  	s4 =	simm.s32 $_scs_section_size  }
0x9a: {  	s5 =	simm.s32 $_size__tile_overlayer_lowered;
	s6 =	simm.s32 $_tile_overlayer_lowered  }
0x9b: {  	s22 =	simm.s32 $0x1BFF;
	s21 =	sshll.u32 s6, $0x1;
	s3 =	sadd.s32 s4, s19  }
0x9c: {  	s7 =	simm.s32 $0x0;
	s20 =	sshll.u32 s5, $0x1;
	s5 =	sadd.s32 s21, s3  }
0x9d: {  	[timem:s7], [sflag:s22] =	dma.local [hbm:s5], s20  }
0x9e: {  	_ =	swait.ge [sflag:s22], s20  }
0x9f: {  	s4 =	ssub.s32 $0x0, s20;
	[sflag:s22] =	ssyncset.done $0x0  }
0xa0: {  	[sflag:s22] =	ssyncadd.s32 s4;
	_ =	sdelay $0x1  }
0xa1: {  	s23 =	simm.s32 $0x1B8B  }
0xa2: {  	_ =	swait.ge [sflag:s23], $0x1  }
0xa3: {  	[sflag:s23] =	ssyncset.done $0x0  }
0xa4: {  	s25 =	simm.s32 $0x1B8E;
	s24 =	sld [smem:$0x3FFE];
	[sflag:s23] =	ssyncadd.s32 $0xFFFFFFFF  }
0xa5: {  	s26 =	simm.s32 $execute0_lowered;
	[smem:$0x3FD2] =	sst s25  }
0xa6: {  	s5 =	sshll.u32 s26, $0x1;
	_ =	strace $0x80000046;
	[dreg:$0x1] =	wrdreg $0xFFFFFFFF  }
0xa7: {  	s28 =	simm.s32 $_size_execute0_lowered;
	s3 =	sadd.s32 s3, s5;
	[dreg:$0x0] =	wrdreg $0x0  }
0xa8: {  	s5 =	sshll.u32 s28, $0x1;
	[dreg:$0x2] =	wrdreg s3  }
0xa9: {  	[dreg:$0x3] =	wrdreg s5  }
0xaa: {  	[dreg:$0x4] =	wrdreg $0xC0  }
0xab: {  	_ =	task [dreg:s7], $0x5FFFF  }
0xac: {  	[dreg:$0x1] =	wrdreg $0xFFFFFFFF  }
0xad: {  	[dreg:$0x0] =	wrdreg $0x60  }
0xae: {  	[dreg:$0x2] =	wrdreg s24  }
0xaf: {  	[dreg:$0x3] =	wrdreg s2  }
0xb0: {  	[dreg:$0x4] =	wrdreg $0x9  }
0xb1: {  	_ =	task.clear_ibuf [dreg:s7], $0x5FFFF;
	_ =	strace $0x90000046  }
0xb2: {  	s29 =	simm.s32 $0x9;
	_ =	strace $0x80000048  }
0xb3: {  	_ =	swait.ge [sflag:s29], $0x1  }
0xb4: {  	[sflag:s29] =	ssyncadd.s32 $0xFFFFFFFF  }
0xb5: {  	_ =	strace $0x90000048  }
0xb6: {  	_ =	sfence  }
0xb7: {  	s30 =	sld [smem:$0x0];
	_ =	sdelay $0x2  }
0xb8: {  	s31 =	sshll.u32 s1, $0xD;
	s1 =	sshrl.u32 s1, $0x2  }
0xb9: {  	s3 =	sand.u32 $0x4000, s31;
	s1 =	sadd.s32 s1, s30  }
0xba: {  	s0 =	sor.u32 s3, s0;
	s1 =	sshll.u32 s1, $0x11  }
0xbb: {  	s0 =	sor.u32 s1, s0  }
0xbc: {  	s0 =	sadd.s32 $0x8F2B, s0  }
0xbd: {  	[sflag:s0] =	ssyncadd.remote.s32 $0x1  }
0xbe: {  	_ =	sfence.sel $0xFFFF  }
0xbf: {  	[dreg:$0x0] =	wrdreg $0xFFFFFFFF;
	(pc) =	sbr.abs _section_cstart, $3  }
0xc0: {  	[dreg:$0x1] =	wrdreg $0xFFFFFFFF  }
0xc1: {  	_ =	task.clear_ibuf [dreg:s7], $0x2FFFF;
	_ =	strace $0x9FFFFFFF  }
0xc2: {  	(tm) =	ssettm $0x7FFFFFFF  }
0xc3: {  	_ =	shalt  }
tec
execute0_lowered:
.L_overlay_start_1:
0x0: {  	(tag) =	ssettag $0x1  }
0x1: {  	v0 =	vimm.s32 $0x76543210;
	v1 =	vimm.s32 $0x54321098  }
0x2: {  	vm1 =	vcmask $0x2700;
	v0 =	vunpack.c.l.s4.s8 v0;
	v1 =	vunpack.c.l.s4.s8 v1  }
0x3: {  	v2 =	vimm.s32 $0x1;
	vm0 =	vcmask $0xF00;
	v4 =	vimm.s32 $0x3  }
0x4: {  	v7 =	vimm.s32 $0x98765432;
	v5 =	vunpack.c.0.s8.s32 v0;
	v6 =	vunpack.c.0.s8.s32 v1  }
0x5: {  	v0 =	vsel vm1, $0x0, v2;
	v1 =	vimm.s32 $0x32109876;
	v2 =	vimm.s32 $0x10987654  }
0x6: {  	vm2 =	vcmask $0x3710;
	v1 =	vunpack.c.l.s4.s8 v1;
	v2 =	vunpack.c.l.s4.s8 v2  }
0x7: {  	v10 =	vimm.s32 $0x5050404;
	v11 =	vlaneseq.u32;
	vm3 =	vcmask $0x2F10  }
0x8: {  	v3 =	vcombine.low v5, v6;
	v8 =	vunpack.c.0.s8.s32 v1;
	v9 =	vunpack.c.0.s8.s32 v2  }
0x9: {  	v13 =	vimm.s32 $0x7;
	v10 =	vunpack.c.0.s8.s32 v10;
	v2 =	vunpack.c.l.s4.s8 v7  }
0xa: {  	v1 =	vand.u32 $0xF, v3;
	v3 =	vsel vm0, $0x1, v4;
	v4 =	vcombine.low v8, v9  }
0xb: {  	s5 =	rddreg [dreg:$0x0];
	vm15 =	vcmask $0x1700;
	v12 =	vshrl.u32 v11, $0x3;
	v7 =	vunpack.c.0.s8.s32 v2  }
0xc: {  	s1 =	rddreg [dreg:$0x1];
	v10 =	vnsel vm0, $0x6, v10;
	v2 =	vsel vm2, $0x2, v3;
	v3 =	vand.u32 $0xF, v4  }
0xd: {  	s0 =	rddreg [dreg:$0x2];
	s2 =	simm.s32 $0x0;
	v11 =	vand.u32 $0xF, v7;
	v4 =	vadd.s32 $0x3, v12;
	v14 =	vcombine.low v9, v7  }
0xe: {  	s3 =	srdreg.scid;
	s10 =	simm.s32 $0x900;
	s11 =	simm.s32 $0x0;
	v7 =	vimm.s32 $0xB;
	v12 =	vadd.s32 $0xB, v12;
	v5 =	vcombine.low v11, v5  }
0xf: {  	[smem:$0x7FF] =	sst s2;
	s6 =	sand.u32 $0x1, s3;
	s3 =	stileid.u32;
	v11 =	vcombine.low v6, v8;
	v6 =	vimm.s32 $0x9;
	v8 =	vimm.s32 $0xD0D0C0C  }
0x10: {  	s4 =	sadd.s32 $0x800, s5;
	s5 =	sadd.s32 $0xA00, s5;
	s7 =	ssub.s32 $0x2, s6;
	v7 =	vsel vm0, $0x9, v7;
	v6 =	vsel vm1, $0x8, v6;
	v15 =	vunpack.c.0.s8.s32 v8  }
0x11: {  	_ =	strace $0x80000047;
	s9 =	sshll.u32 s3, $0x1;
	s8 =	sshrl.u32 s7, $0x1;
	v8 =	vsel vm3, $0x5, v10;
	v10 =	vsel vm15, $0x6, v13;
	v9 =	vand.u32 $0xF, v11  }
0x12: {  	s6 =	sor.u32 s6, s9;
	s9 =	simm.s32 $0x100;
	s7 =	ssub.s32 s7, s8;
	v11 =	vand.u32 $0xF, v14;
	v14 =	vimm.s32 $0xF;
	v13 =	vnsel vm0, $0xE, v15  }
0x13: {  	s6 =	smul.u32 $0x19000, s6;
	s8 =	simm.s32 $0x1;
	s7 =	smax.u32 s7, $0x1;
	v7 =	vsel vm2, $0xA, v7;
	v14 =	vsel vm15, $0xE, v14;
	v13 =	vsel vm3, $0xD, v13  }
.LBB2_1:
0x14: {  	[tilespmem:s2], [sflag:$0x1] =	stream.linear.gather [hbm4b:s4+s2], $0x100, $0x38;
	[tilespmem:$0x5900] =	vst v63  }
0x15: {  	_ =	swait.ge [sflag:s8], $0x100  }
0x16: {  	[sflag:s8] =	ssyncset.done $0x0  }
0x17: {  	s12 =	simm.s32 $0x0;
	[sflag:s8] =	ssyncadd.s32 $0xFFFFFF00  }
.LBB2_2:
0x18: {  	s13 =	sshll.u32 s12, $0xB  }
0x19: {  	s13 =	sadd.s32 s6, s13  }
0x1a: {  	s14 =	sshrl.u32 s13, $0x3  }
0x1b: {  	s15 =	sadd.s32 s5, s14;
	s14 =	simm.s32 $0x0  }
0x1c: {  	[tilespmem:s9], [sflag:$0x1] =	stream.linear.gather [hbm4b:s15+s14], $0x800, $0x38;
	[tilespmem:$0x5900] =	vst v63  }
0x1d: {  	_ =	swait.ge [sflag:s8], $0x800  }
0x1e: {  	[sflag:s8] =	ssyncset.done $0x0  }
0x1f: {  	s16 =	simm.s32 $0x0;
	s15 =	simm.s32 $0x950;
	[sflag:s8] =	ssyncadd.s32 $0xFFFFF800  }
.LBB2_3:
0x20: {  	v15 =	vor.u32 s16, v0;
	_ =	sdelay $0x4  }
0x21: {  	v15 =	vld.idx.msk [tilespmem:v15+s9+$0x0], $0xffff;
	_ =	sdelay $0x4  }
0x22: {  	v15 =	vmul.u32 $0xA, v15;
	_ =	sdelay $0x1  }
0x23: {  	v15 =	vadd.s32 v1, v15;
	_ =	sdelay $0x4  }
0x24: {  	v15 =	vld.idx.msk [tilespmem:v15+s2+$0x0], $0xffff  }
0x25: {  	v16 =	vor.u32 s16, v2;
	_ =	sdelay $0x3  }
0x26: {  	[tilespmem:s15+$0xFFFFFFB0] =	vst v15  }
0x27: {  	v15 =	vld.idx.msk [tilespmem:v16+s9+$0x0], $0xffff;
	_ =	sdelay $0x4  }
0x28: {  	v15 =	vmul.u32 $0xA, v15;
	_ =	sdelay $0x1  }
0x29: {  	v15 =	vadd.s32 v3, v15;
	_ =	sdelay $0x4  }
0x2a: {  	v15 =	vld.idx.msk [tilespmem:v15+s2+$0x0], $0xffff  }
0x2b: {  	v56 =	vor.u32 s16, v4;
	_ =	sdelay $0x3  }
0x2c: {  	[tilespmem:s15+$0xFFFFFFC0] =	vst v15  }
0x2d: {  	v15 =	vld.idx.msk [tilespmem:v56+s9+$0x0], $0xffff;
	_ =	sdelay $0x4  }
0x2e: {  	v15 =	vmul.u32 $0xA, v15;
	_ =	sdelay $0x1  }
0x2f: {  	v15 =	vadd.s32 v5, v15;
	_ =	sdelay $0x4  }
0x30: {  	v15 =	vld.idx.msk [tilespmem:v15+s2+$0x0], $0xffff  }
0x31: {  	v57 =	vor.u32 s16, v8;
	_ =	sdelay $0x3  }
0x32: {  	[tilespmem:s15+$0xFFFFFFD0] =	vst v15  }
0x33: {  	v15 =	vld.idx.msk [tilespmem:v57+s9+$0x0], $0xffff;
	_ =	sdelay $0x4  }
0x34: {  	v15 =	vmul.u32 $0xA, v15;
	_ =	sdelay $0x1  }
0x35: {  	v15 =	vadd.s32 v9, v15;
	_ =	sdelay $0x4  }
0x36: {  	v15 =	vld.idx.msk [tilespmem:v15+s2+$0x0], $0xffff  }
0x37: {  	v58 =	vor.u32 s16, v10;
	_ =	sdelay $0x3  }
0x38: {  	[tilespmem:s15+$0xFFFFFFE0] =	vst v15  }
0x39: {  	v15 =	vld.idx.msk [tilespmem:v58+s9+$0x0], $0xffff;
	_ =	sdelay $0x4  }
0x3a: {  	v15 =	vmul.u32 $0xA, v15;
	_ =	sdelay $0x1  }
0x3b: {  	v15 =	vadd.s32 v11, v15;
	_ =	sdelay $0x4  }
0x3c: {  	v15 =	vld.idx.msk [tilespmem:v15+s2+$0x0], $0xffff  }
0x3d: {  	v59 =	vor.u32 s16, v6;
	_ =	sdelay $0x3  }
0x3e: {  	[tilespmem:s15+$0xFFFFFFF0] =	vst v15  }
0x3f: {  	v15 =	vld.idx.msk [tilespmem:v59+s9+$0x0], $0xffff;
	_ =	sdelay $0x4  }
0x40: {  	v15 =	vmul.u32 $0xA, v15;
	_ =	sdelay $0x1  }
0x41: {  	v15 =	vadd.s32 v1, v15;
	_ =	sdelay $0x4  }
0x42: {  	v15 =	vld.idx.msk [tilespmem:v15+s2+$0x0], $0xffff  }
0x43: {  	v60 =	vor.u32 s16, v7;
	_ =	sdelay $0x3  }
0x44: {  	[tilespmem:s15+$0x0] =	vst v15  }
0x45: {  	v15 =	vld.idx.msk [tilespmem:v60+s9+$0x0], $0xffff;
	_ =	sdelay $0x4  }
0x46: {  	v15 =	vmul.u32 $0xA, v15;
	_ =	sdelay $0x1  }
0x47: {  	v15 =	vadd.s32 v3, v15;
	_ =	sdelay $0x4  }
0x48: {  	v15 =	vld.idx.msk [tilespmem:v15+s2+$0x0], $0xffff  }
0x49: {  	v61 =	vor.u32 s16, v12;
	_ =	sdelay $0x3  }
0x4a: {  	[tilespmem:s15+$0x10] =	vst v15  }
0x4b: {  	v15 =	vld.idx.msk [tilespmem:v61+s9+$0x0], $0xffff;
	_ =	sdelay $0x4  }
0x4c: {  	v15 =	vmul.u32 $0xA, v15;
	_ =	sdelay $0x1  }
0x4d: {  	v15 =	vadd.s32 v5, v15;
	_ =	sdelay $0x4  }
0x4e: {  	v15 =	vld.idx.msk [tilespmem:v15+s2+$0x0], $0xffff  }
0x4f: {  	v62 =	vor.u32 s16, v13;
	_ =	sdelay $0x3  }
0x50: {  	[tilespmem:s15+$0x20] =	vst v15  }
0x51: {  	v15 =	vld.idx.msk [tilespmem:v62+s9+$0x0], $0xffff;
	_ =	sdelay $0x4  }
0x52: {  	v15 =	vmul.u32 $0xA, v15;
	_ =	sdelay $0x1  }
0x53: {  	v15 =	vadd.s32 v9, v15;
	_ =	sdelay $0x4  }
0x54: {  	v15 =	vld.idx.msk [tilespmem:v15+s2+$0x0], $0xffff  }
0x55: {  	v63 =	vor.u32 s16, v14;
	_ =	sdelay $0x2  }
0x56: {  	s17 =	sand.u32 $0x7FE0, s14  }
0x57: {  	[tilespmem:s17+$0x980] =	vst v15  }
0x58: {  	v15 =	vld.idx.msk [tilespmem:v63+s9+$0x0], $0xffff;
	_ =	sdelay $0x4  }
0x59: {  	v15 =	vmul.u32 $0xA, v15;
	_ =	sdelay $0x1  }
0x5a: {  	v15 =	vadd.s32 v11, v15;
	_ =	sdelay $0x4  }
0x5b: {  	p0 =	sne.s32 s16, $0x7F0;
	v15 =	vld.idx.msk [tilespmem:v15+s2+$0x0], $0xffff  }
.Ltmp0:
0x5c: {  	_ = 	snop;
	(pc) =	sbr.rel @p0 .LBB2_3-.Ltmp0, $2  }
0x5d: {  	_ =	sdelay $0x2  }
0x5e: {  	s14 =	sadd.s32 $0xA0, s14;
	s16 =	sadd.s32 $0x10, s16;
	[tilespmem:s15+$0x40] =	vst v15;
	s15 =	sadd.s32 $0xA0, s15  }
0x5f: {  	s13 =	smul.u32 $0xA, s13  }
0x60: {  	s12 =	sadd.s32 $0x1, s12  }
0x61: {  	p0 =	sne.s32 s12, $0x32;
	s13 =	sshrl.u32 s13, $0x3  }
.Ltmp1:
0x62: {  	s13 =	sadd.s32 s1, s13;
	(pc) =	sbr.rel @p0 .LBB2_2-.Ltmp1, $4  }
0x63: {  	[hbm4b:s13+s2] =	stream.linear.scatter [tilespmem:s10], [sflag:$0x1], $0x5000, $0x38;
	[tilespmem:$0x5900] =	vst v63  }
0x64: {  	_ =	swait.ge [sflag:s8], $0x5000  }
0x65: {  	[sflag:s8] =	ssyncset.done $0x0  }
0x66: {  	[sflag:s8] =	ssyncadd.s32 $0xFFFFB000  }
0x67: {  	s11 =	sadd.s32 $0x1, s11  }
0x68: {  	p0 =	sne.s32 s11, s7  }
.Ltmp2:
0x69: {  	_ = 	snop;
	(pc) =	sbr.rel @p0 .LBB2_1-.Ltmp2, $1  }
0x6a: {  	_ =	sdelay $0x3  }
0x6b: {  	_ =	sfence.sel $0x180000  }
0x6c: {  	[bflag:$0x0] =	sbarrier.arrive $0xFFFF  }
0x6d: {  	p0 =	sne.s32 s3, $0x0;
	_ =	strace $0x90000047  }
0x6e: {  	s0 =	sadd.s32 @!p0 $0x100000, s0;
	[bflag:$0x2] =	sbarrier.arrive $0xFFFF  }
0x6f: {  	[sflag:s0] =	ssyncadd.tile.s32 @!p0 $0x1;
	_ =	shalt  }
.Lfunc_end2:
_tile_overlayer_lowered:
.L_overlay_start_2:
0x70: {  	(tag) =	ssettag $0x2  }
0x71: {  	s0 =	rddreg [dreg:$0x0];
	s2 =	stileid.u32  }
0x72: {  	s1 =	rddreg [dreg:$0x1];
	p0 =	sne.s32 s2, $0x0  }
0x73: {  	s3 =	rddreg [dreg:$0x2];
	[bflag:$0x3] =	sbarrier.arrive $0xFFFF;
	s2 =	simm.s32 @!p0 $0x1C01  }
0x74: {  	[timem:s3], [sflag:s2] =	dma.local @!p0 [hbm:s0], s1  }
0x75: {  	s0 =	simm.s32 @!p0 $0x1  }
0x76: {  	_ =	swait.ge @!p0 [sflag:s0], s1  }
0x77: {  	s1 =	ssub.s32 @!p0 $0x0, s1;
	[sflag:s0] =	ssyncset.done @!p0 $0x0  }
0x78: {  	[sflag:s0] =	ssyncadd.s32 @!p0 s1  }
0x79: {  	[bflag:$0x3] =	sbarrier.arrive $0xFFFF  }
0x7a: {  	_ =	shalt  }

// kernel: sparse-core-data-format-call.cloned.1.call-start
scs
called_computation_lowered:
.L_overlay_start_0:
0x0: {  	s2 =	sld [smem:$0x3FD9]  }
0x1: {  	s3 =	sld [smem:$0x3FFE];
	_ =	sdelay $0x1  }
0x2: {  	s1 =	srdreg.scid  }
0x3: {  	s0 =	sand.u32 $0x1, s1  }
0x4: {  	s18 =	sshll.u32 s0, $0xA;
	s2 =	sadd.s32 s3, s2  }
0x5: {  	s2 =	sadd.s32 s2, s18  }
0x6: {  	[smem:$0x3FC6] =	sst s2  }
0x7: {  	_ = 	snop  }
0x8: {  	s2 =	sld [smem:$0x3FD0];
	(tm) =	ssettm $0x1  }
0x9: {  	s19 =	sld [smem:$0x3FFB];
	_ =	sdelay $0x3  }
0xa: {  	_ =	strace s19  }
0xb: {  	s3 =	sld [smem:$0x3FFC];
	_ =	sdelay $0x3  }
0xc: {  	_ =	strace s3  }
0xd: {  	s3 =	sld [smem:$0x3FFD];
	_ =	sdelay $0x3  }
0xe: {  	_ =	strace s3  }
0xf: {  	_ =	strace $0x8FFFFFFF  }
0x10: {  	s20 =	sld [smem:$0x3FDB];
	_ =	sdelay $0x1  }
0x11: {  	s4 =	simm.s32 $_scs_section_size  }
0x12: {  	s5 =	simm.s32 $_size__tile_overlayer_lowered;
	s6 =	simm.s32 $_tile_overlayer_lowered  }
0x13: {  	s23 =	simm.s32 $0x1BFF;
	s22 =	sshll.u32 s6, $0x1;
	s3 =	sadd.s32 s4, s20  }
0x14: {  	s7 =	simm.s32 $0x0;
	s21 =	sshll.u32 s5, $0x1;
	s5 =	sadd.s32 s22, s3  }
0x15: {  	[timem:s7], [sflag:s23] =	dma.local [hbm:s5], s21  }
0x16: {  	_ =	swait.ge [sflag:s23], s21  }
0x17: {  	s4 =	ssub.s32 $0x0, s21;
	[sflag:s23] =	ssyncset.done $0x0  }
0x18: {  	[sflag:s23] =	ssyncadd.s32 s4;
	_ =	sdelay $0x1  }
0x19: {  	s24 =	simm.s32 $0x1B8B  }
0x1a: {  	_ =	swait.ge [sflag:s24], $0x1  }
0x1b: {  	[sflag:s24] =	ssyncset.done $0x0  }
0x1c: {  	s26 =	simm.s32 $0x1B8E;
	s25 =	sld [smem:$0x3FFE];
	[sflag:s24] =	ssyncadd.s32 $0xFFFFFFFF  }
0x1d: {  	s27 =	simm.s32 $execute0_lowered;
	[smem:$0x3FD2] =	sst s26  }
0x1e: {  	s5 =	sshll.u32 s27, $0x1;
	_ =	strace $0x80000049;
	[dreg:$0x1] =	wrdreg $0xFFFFFFFF  }
0x1f: {  	s28 =	simm.s32 $_size_execute0_lowered;
	s3 =	sadd.s32 s3, s5;
	[dreg:$0x0] =	wrdreg $0x0  }
0x20: {  	s5 =	sshll.u32 s28, $0x1;
	[dreg:$0x2] =	wrdreg s3  }
0x21: {  	[dreg:$0x3] =	wrdreg s5  }
0x22: {  	[dreg:$0x4] =	wrdreg $0xC0  }
0x23: {  	_ =	task [dreg:s7], $0x5FFFF  }
0x24: {  	[dreg:$0x1] =	wrdreg $0xFFFFFFFF  }
0x25: {  	[dreg:$0x0] =	wrdreg $0x60  }
0x26: {  	[dreg:$0x2] =	wrdreg s25  }
0x27: {  	[dreg:$0x3] =	wrdreg s2  }
0x28: {  	[dreg:$0x4] =	wrdreg $0x9  }
0x29: {  	_ =	task.clear_ibuf [dreg:s7], $0x5FFFF;
	_ =	strace $0x90000049  }
0x2a: {  	s29 =	simm.s32 $0x9;
	_ =	strace $0x8000004B  }
0x2b: {  	_ =	swait.ge [sflag:s29], $0x1  }
0x2c: {  	[sflag:s29] =	ssyncadd.s32 $0xFFFFFFFF  }
0x2d: {  	_ =	strace $0x9000004B  }
0x2e: {  	_ =	sfence  }
0x2f: {  	s30 =	sld [smem:$0x0];
	_ =	sdelay $0x2  }
0x30: {  	s31 =	sshll.u32 s1, $0xD;
	s1 =	sshrl.u32 s1, $0x2  }
0x31: {  	s3 =	sand.u32 $0x4000, s31;
	s1 =	sadd.s32 s1, s30  }
0x32: {  	s0 =	sor.u32 s3, s0;
	s1 =	sshll.u32 s1, $0x11  }
0x33: {  	s0 =	sor.u32 s1, s0  }
0x34: {  	s0 =	sadd.s32 $0x8F2B, s0  }
0x35: {  	[sflag:s0] =	ssyncadd.remote.s32 $0x1  }
0x36: {  	_ =	sfence.sel $0xFFFF  }
0x37: {  	[dreg:$0x0] =	wrdreg $0xFFFFFFFF;
	(pc) =	sbr.abs _section_cstart, $3  }
0x38: {  	[dreg:$0x1] =	wrdreg $0xFFFFFFFF  }
0x39: {  	_ =	task.clear_ibuf [dreg:s7], $0x2FFFF;
	_ =	strace $0x9FFFFFFF  }
0x3a: {  	(tm) =	ssettm $0x7FFFFFFF  }
0x3b: {  	_ =	shalt  }
tec
execute0_lowered:
.L_overlay_start_1:
0x0: {  	(tag) =	ssettag $0x1  }
0x1: {  	s0 =	srdreg.scid  }
0x2: {  	s1 =	sshll.u32 s0, $0x4  }
0x3: {  	s6 =	rddreg [dreg:$0x0];
	s0 =	stileid.u32;
	s1 =	sand.u32 $0x10, s1  }
0x4: {  	s3 =	rddreg [dreg:$0x1];
	s1 =	sor.u32 s0, s1  }
0x5: {  	s5 =	simm.s32 $0x1;
	s31 =	simm.s32 $0x2;
	s2 =	sshll.u32 s1, $0x7  }
0x6: {  	s15 =	simm.s32 $0x0;
	s8 =	simm.s32 $0x320000;
	s4 =	ssub.s32 $0x4000, s2  }
0x7: {  	s14 =	simm.s32 $0x0;
	s9 =	simm.s32 $0x0;
	s30 =	sand.u32 $0xF80, s4  }
0x8: {  	s10 =	simm.s32 $0x0;
	s11 =	simm.s32 $0x0;
	p0 =	sne.s32 s30, $0x0  }
.Ltmp0:
0x9: {  	s7 =	sshrl.u32 s4, $0xC;
	s5 =	simm.s32 @!p0 $0x0;
	(pc) =	sbr.rel .LBB1_1-.Ltmp0, $4  }
0xa: {  	s13 =	simm.s32 $0x0;
	s1 =	rddreg [dreg:$0x2];
	s5 =	sadd.s32 s5, s7  }
0xb: {  	_ =	strace $0x8000004A;
	s4 =	simm.s32 $0x1;
	s5 =	smul.u32 $0xC8, s5  }
0xc: {  	s6 =	sadd.s32 $0x800, s6;
	s12 =	smov.u32 s2;
	[sflag:s4] =	ssyncpa.u1 $0x0  }
0xd: {  	[sflag:s31] =	ssyncpa.u1 $0x0;
	p0 =	por $0x0, $0x0;
	s7 =	sor.u32 $0x1, s5  }
.LBB1_4:
0xe: {  	s18 =	sshll.u32 s9, $0xE;
	s19 =	sand.u32 $0x78, s10;
	s20 =	sshll.u32 s10, $0x3  }
0xf: {  	s22 =	sshll.u32 s9, $0x7;
	p1 =	sgt.s32 s9, $0xC7;
	s25 =	sshra.s32 s9, $0x1F  }
0x10: {  	s23 =	smov.u32 s10;
	s24 =	sshra.s32 s10, $0x1F;
	s29 =	sand.u32 $0x7, s10  }
0x11: {  	s18 =	sand.u32 $0xFFFE0000, s18;
	s21 =	sand.u32 $0xFFFFFC00, s20;
	s20 =	sand.u32 $0x3C00, s20  }
0x12: {  	s30 =	sand.u32 $0x380, s22;
	s22 =	sand.u32 s25, s9;
	s18 =	sadd.s32 s21, s18  }
0x13: {  	s19 =	sor.u32 s19, s20;
	s20 =	smov.u32 s9;
	s18 =	sshrl.u32 s18, $0xE  }
0x14: {  	s20 =	simm.s32 @!p1 $0xC7;
	p1 =	sgt.s32 s10, $0x3F80;
	s31 =	smulhi.u32 $0x147AE15, s18  }
0x15: {  	s26 =	sand.u32 s24, s10;
	s20 =	ssub.s32 s20, s22;
	s23 =	simm.s32 @!p1 $0x3F80  }
0x16: {  	s27 =	ssub.s32 $0xC8, s20;
	s22 =	ssub.s32 s23, s26;
	s21 =	smul.u32 $0xC8, s31  }
0x17: {  	s20 =	sadd.s32 $0xFFFFFF39, s20;
	s23 =	smul.u32 $0xA, s27;
	s28 =	sadd.s32 $0xFFFFC080, s22  }
0x18: {  	p1 =	sgt.s32 s20, $0x0;
	s20 =	ssub.s32 $0x4000, s22;
	p2 =	sgt.s32 s28, $0x7F  }
0x19: {  	s19 =	sor.u32 s30, s19;
	s23 =	simm.s32 @p1 $0x0;
	s20 =	simm.s32 @p2 $0x0  }
0x1a: {  	s19 =	sshrl.u32 s19, $0x3;
	s18 =	ssub.s32 s18, s21;
	s20 =	smul.u32 s20, s23  }
0x1b: {  	s19 =	sadd.s32 s3, s19;
	s21 =	sshll.u32 s29, $0x12;
	s18 =	sshll.u32 s18, $0xB  }
0x1c: {  	[tilespmem:s17+$0x0 ss:$0x81] =	vst.msk $0xffff, v0;
	s31 =	sor.u32 $0x80, s21;
	s18 =	sadd.s32 s18, s19;
	s30 =	sand.u32 $0x3FFFFFFE, s20  }
0x1d: {  	[hbm4b:s18+s31] =	stream.strided.scatter [tilespmem:s16], [sflag:$0x2], s30, s8, s31, $0x20;
	[tilespmem:$0x2020] =	vst v63  }
.LBB1_5:
0x1e: {  	p1 =	slt.u32 s13, $0x2  }
0x1f: {  	s17 =	smov.u32 s15;
	p2 =	sgt.s32 @!p1 s15, $0xC7;
	s16 =	sshra.s32 @!p1 s15, $0x1F  }
0x20: {  	p3 =	sgt.s32 @!p1 s14, $0x3F80;
	s18 =	sshra.s32 @!p1 s14, $0x1F;
	p2 =	por !p2, p1  }
0x21: {  	s15 =	sand.u32 @!p1 s16, s15;
	p3 =	por !p3, p1;
	s16 =	smov.u32 s14  }
0x22: {  	s14 =	sand.u32 @!p1 s18, s14;
	s17 =	simm.s32 @p2 $0xC7;
	s16 =	simm.s32 @p3 $0x3F80  }
0x23: {  	s18 =	smov.u32 s12;
	s15 =	ssub.s32 @!p1 s17, s15;
	s14 =	ssub.s32 @!p1 s16, s14  }
0x24: {  	s16 =	sadd.s32 @!p1 $0xFFFFFF39, s15;
	s15 =	ssub.s32 @!p1 $0xC8, s15;
	s17 =	sadd.s32 @!p1 $0xFFFFC080, s14  }
0x25: {  	p2 =	sgt.s32 @!p1 s16, $0x0;
	s15 =	smul.u32 @!p1 $0xA, s15;
	p3 =	sgt.s32 @!p1 s17, $0x7F  }
0x26: {  	s14 =	ssub.s32 @!p1 $0x4000, s14;
	p2 =	por !p2, p1;
	p3 =	por !p3, p1  }
0x27: {  	s16 =	sadd.s32 $0x1, s11;
	s15 =	simm.s32 @!p2 $0x0;
	s14 =	simm.s32 @!p3 $0x0  }
0x28: {  	p2 =	sgt.s32 s16, $0xC7;
	s14 =	smul.u32 @!p1 s14, s15;
	s15 =	sadd.s32 $0x1000, s12  }
0x29: {  	s18 =	smov.u32 @p2 s15  }
0x2a: {  	s16 =	simm.s32 @p2 $0x0;
	p2 =	sgt.s32 s18, $0x3FFF  }
0x2b: {  	s18 =	smov.u32 @p2 s2;
	p2 =	sne.s32 s13, s7  }
.Ltmp1:
0x2c: {  	p0 =	por !p0, !p0;
	s17 =	simm.s32 @!p1 $0x2;
	(pc) =	sbr.rel @!p2 .LBB1_6-.Ltmp1, $4  }
0x2d: {  	s15 =	smov.u32 s9;
	s9 =	smov.u32 s11;
	s14 =	sand.u32 @!p1 $0x3FFFFFFE, s14  }
0x2e: {  	s11 =	smov.u32 s16;
	_ =	swait.ge @!p1 [sflag:s17], s14;
	s19 =	ssub.s32 @!p1 $0x0, s14  }
0x2f: {  	s14 =	smov.u32 s10;
	s13 =	sadd.s32 $0x1, s13;
	[sflag:s17] =	ssyncset.done @!p1 $0x0  }
0x30: {  	s10 =	smov.u32 s12;
	s12 =	smov.u32 s18;
	[sflag:s17] =	ssyncadd.s32 @!p1 s19  }
.LBB1_1:
0x31: {  	p1 =	sge.u32 s13, s5  }
0x32: {  	s16 =	sand.u32 @!p1 $0x1FFFFFF, s11  }
0x33: {  	s17 =	smulhi.u32 @!p1 $0x147AE15, s16;
	_ =	sdelay $0x1  }
0x34: {  	s17 =	smul.u32 @!p1 $0xC8, s17  }
0x35: {  	s18 =	sxor.u32 @!p1 $0xFFFFFFFF, s13;
	s19 =	smul.u32 @!p1 $0xC80, s12  }
0x36: {  	s31 =	sadd.s32 $0xFFFFFFFF, s13;
	s18 =	sshll.u32 @!p1 s18, $0xB;
	s16 =	ssub.s32 @!p1 s16, s17  }
0x37: {  	s17 =	sand.u32 @!p1 $0x800, s18;
	s18 =	sadd.s32 @!p1 s6, s19;
	s16 =	sshll.u32 @!p1 s16, $0x4  }
0x38: {  	s19 =	simm.s32 @!p1 $0x6400;
	s16 =	sadd.s32 @!p1 s16, s18;
	s18 =	simm.s32 @!p1 $0x10  }
0x39: {  	[tilespmem:s17], [sflag:$0x1] =	stream.strided.gather @!p1 [hbm4b:s16+s18], $0x800, s19, s18, $0x38;
	[tilespmem:$0x2020] =	vst v63  }
0x3a: {  	p1 =	sge.u32 s31, s5  }
.Ltmp2:
0x3b: {  	_ = 	snop;
	(pc) =	sbr.rel @p1 .LBB1_5-.Ltmp2, $1  }
0x3c: {  	_ =	sdelay $0x3  }
0x3d: {  	s16 =	simm.s32 $0x1  }
0x3e: {  	s16 =	simm.s32 @!p0 $0x0  }
0x3f: {  	s17 =	sshll.u32 s16, $0xB  }
0x40: {  	v1 =	vmov s17;
	_ =	sdelay $0x1  }
0x41: {  	_ =	swait.ge [sflag:s4], $0x800  }
0x42: {  	s31 =	sand.u32 $0x1, s13;
	[sflag:s4] =	ssyncset.done $0x0  }
0x43: {  	s19 =	simm.s32 $0x0;
	s16 =	smul.u32 $0x2040, s16;
	[sflag:s4] =	ssyncadd.s32 $0xFFFFF800  }
0x44: {  	s17 =	smul.u32 $0x2040, s31;
	v0 =	vld.idx.msk [tilespmem:v1+s19+$0x0 ss:$0x1], $0xffff;
	_ =	sdelay $0x1  }
0x45: {  	s16 =	sshrl.u32 s16, $0x2;
	s18 =	sshrl.u32 s17, $0x2  }
0x46: {  	s17 =	sor.u32 $0x1000, s16;
	s16 =	sor.u32 $0x1000, s18;
	s18 =	simm.s32 $0x40  }
.LBB1_3:
0x47: {  	s19 =	sshra.s32 s18, $0x2;
	p1 =	sne.s32 s18, $0x1FC0;
	s18 =	sadd.s32 $0x40, s18  }
.Ltmp3:
0x48: {  	[tilespmem:s17+$0x0 ss:$0x81] =	vst.msk $0xffff, v0;
	v0 =	vld.idx.msk [tilespmem:v1+s19+$0x0 ss:$0x1], $0xffff;
	(pc) =	sbr.rel @p1 .LBB1_3-.Ltmp3, $2  }
0x49: {  	_ =	sdelay $0x2  }
0x4a: {  	s17 =	sadd.s32 $0x1, s17  }
.Ltmp4:
0x4b: {  	_ = 	snop;
	(pc) =	sbr.rel .LBB1_4-.Ltmp4, $1  }
0x4c: {  	_ =	sdelay $0x3  }
.LBB1_6:
0x4d: {  	_ =	sfence.sel $0x180000  }
0x4e: {  	s2 =	simm.s32 $0x1;
	[bflag:$0x0] =	sbarrier.arrive $0xFFFF  }
0x4f: {  	s31 =	simm.s32 $0x2;
	[sflag:s2] =	ssyncpa.u1 $0x1  }
0x50: {  	[sflag:s31] =	ssyncpa.u1 $0x1  }
0x51: {  	p0 =	sne.s32 s0, $0x0;
	_ =	strace $0x9000004A  }
0x52: {  	s0 =	sadd.s32 @!p0 $0x100000, s1;
	[bflag:$0x2] =	sbarrier.arrive $0xFFFF  }
0x53: {  	[sflag:s0] =	ssyncadd.tile.s32 @!p0 $0x1;
	_ =	shalt  }
.Lfunc_end1:
_tile_overlayer_lowered:
.L_overlay_start_2:
0x54: {  	(tag) =	ssettag $0x2  }
0x55: {  	s0 =	rddreg [dreg:$0x0];
	s2 =	stileid.u32  }
0x56: {  	s1 =	rddreg [dreg:$0x1];
	p0 =	sne.s32 s2, $0x0  }
0x57: {  	s3 =	rddreg [dreg:$0x2];
	[bflag:$0x3] =	sbarrier.arrive $0xFFFF;
	s2 =	simm.s32 @!p0 $0x1C01  }
0x58: {  	[timem:s3], [sflag:s2] =	dma.local @!p0 [hbm:s0], s1  }
0x59: {  	s0 =	simm.s32 @!p0 $0x1  }
0x5a: {  	_ =	swait.ge @!p0 [sflag:s0], s1  }
0x5b: {  	s1 =	ssub.s32 @!p0 $0x0, s1;
	[sflag:s0] =	ssyncset.done @!p0 $0x0  }
0x5c: {  	[sflag:s0] =	ssyncadd.s32 @!p0 s1  }
0x5d: {  	[bflag:$0x3] =	sbarrier.arrive $0xFFFF  }
0x5e: {  	_ =	shalt  }

</sc_bundles>
